<compile_context>
chip_gen: v7x
topology: tpu7x:2x2x1
jax: 0.10.2.dev20260603
libtpu: 0.0.44.dev20260713+nightly
codegen_flags: <defaults>
</compile_context>

<pallas_src>
import jax
import jax.numpy as jnp
from jax import lax
from jax.experimental import pallas as pl
from jax.experimental.pallas import tpu as pltpu
from jax.experimental.pallas import tpu_sc as plsc

_E = 8
_K = 2
_H = 1024
_F = 704
_FS = 1408
_T = 2048
_NP = _T * _K
_BM = 128
_NPAD = _NP + _E * _BM
_NT = _NPAD // _BM
_NTP = 48

_NC = 2
_NS = 16
_NW = _NC * _NS
_RW = _NPAD // _NW
_PFW = _NPAD // _NS
_SCW = _NP // _NS


def _gate_body(x_ref, gw_ref, pos_ref, wts_ref, teid_ref, s_ref):
    x = x_ref[...]
    gw = gw_ref[...]
    logits = jax.lax.dot_general(x, gw, (((1,), (1,)), ((), ())),
                                 preferred_element_type=jnp.float32)
    m = jnp.max(logits, axis=-1, keepdims=True)
    ex = jnp.exp(logits - m)
    scores = ex / jnp.sum(ex, axis=-1, keepdims=True)
    cols = jax.lax.broadcasted_iota(jnp.int32, scores.shape, 1)
    m1 = jnp.max(scores, axis=-1, keepdims=True)
    i1 = jnp.min(jnp.where(scores == m1, cols, _E), axis=-1, keepdims=True)
    masked = jnp.where(cols == i1, -jnp.inf, scores)
    m2 = jnp.max(masked, axis=-1, keepdims=True)
    i2 = jnp.min(jnp.where(masked == m2, cols, _E), axis=-1, keepdims=True)
    denom = m1 + m2 + 1e-20
    wts_ref[...] = jnp.concatenate([m1 / denom, m2 / denom], axis=1)

    oh0 = jnp.where(cols == i1, 1.0, 0.0)
    oh1 = jnp.where(cols == i2, 1.0, 0.0)
    both = oh0 + oh1

    cb = 256
    rr = jax.lax.broadcasted_iota(jnp.int32, (cb, cb), 0)
    cc = jax.lax.broadcasted_iota(jnp.int32, (cb, cb), 1)
    tri = jnp.where(rr > cc, 1.0, 0.0)
    off = jnp.zeros((1, _E), jnp.float32)
    for b in range(_T // cb):
        blk = both[b * cb:(b + 1) * cb, :]
        s_ref[pl.ds(b * cb, cb), :] = jax.lax.dot_general(
            tri, blk, (((1,), (0,)), ((), ())),
            preferred_element_type=jnp.float32) + off
        off = off + jnp.sum(blk, axis=0, keepdims=True)
    s = s_ref[...]

    counts = off
    padded = jnp.floor((counts + (_BM - 1)) / _BM) * _BM
    er = jax.lax.broadcasted_iota(jnp.int32, (_E, _E), 0)
    ec = jax.lax.broadcasted_iota(jnp.int32, (_E, _E), 1)
    triu = jnp.where(er <= ec, 1.0, 0.0)
    ends = jax.lax.dot_general(padded, triu, (((1,), (0,)), ((), ())),
                               preferred_element_type=jnp.float32)
    starts = ends - padded

    pos0 = jnp.sum(oh0 * (starts + s), axis=1, keepdims=True)
    pos1 = jnp.sum(oh1 * (starts + s + oh0), axis=1, keepdims=True)
    pos_ref[...] = jnp.concatenate([pos0, pos1], axis=1).astype(jnp.int32)

    tstart = (jax.lax.broadcasted_iota(jnp.int32, (_NTP, _E), 0)
              * _BM).astype(jnp.float32)
    acc = jnp.sum(jnp.where(tstart >= ends, 1.0, 0.0), axis=1)
    teid_ref[...] = jnp.minimum(acc, _E - 1).astype(jnp.int32).reshape(1, _NTP)


def _gate_route(x, gate_w):
    return pl.pallas_call(
        _gate_body,
        out_shape=(jax.ShapeDtypeStruct((_T, _K), jnp.int32),
                   jax.ShapeDtypeStruct((_T, _K), jnp.float32),
                   jax.ShapeDtypeStruct((1, _NTP), jnp.int32)),
        scratch_shapes=[pltpu.VMEM((_T, _E), jnp.float32)],
    )(x, gate_w)


_TW = _T // _NW


def _dispatch_body(p0_hbm, p1_hbm, x_hbm, xs_out, idx0_v, idx1_v, rows_v,
                   sem0, sem1):
    wid = lax.axis_index("c") * _NS + lax.axis_index("s")
    tb = wid * _TW
    pltpu.sync_copy(p0_hbm.at[pl.ds(tb, _TW)], idx0_v)
    pltpu.sync_copy(p1_hbm.at[pl.ds(tb, _TW)], idx1_v)
    pltpu.sync_copy(x_hbm.at[pl.ds(tb, _TW)], rows_v)
    d0 = pltpu.async_copy(rows_v, xs_out.at[idx0_v], sem0)
    d1 = pltpu.async_copy(rows_v, xs_out.at[idx1_v], sem1)
    d0.wait()
    d1.wait()


def _dispatch(pos0, pos1, x):
    mesh = plsc.VectorSubcoreMesh(core_axis_name="c", subcore_axis_name="s",
                                  num_cores=_NC, num_subcores=_NS)
    return pl.kernel(
        _dispatch_body,
        out_type=jax.ShapeDtypeStruct((_NPAD, _H), jnp.float32),
        mesh=mesh,
        scratch_types=[
            pltpu.VMEM((_TW,), jnp.int32),
            pltpu.VMEM((_TW,), jnp.int32),
            pltpu.VMEM((_TW, _H), jnp.float32),
            pltpu.SemaphoreType.DMA,
            pltpu.SemaphoreType.DMA,
        ],
        name="moe_dispatch_sc",
    )(pos0, pos1, x)


def _moe_body(tile_eid_ref, xs_ref, wg_ref, wu_ref, wd_ref, out_ref):
    x = xs_ref[...]
    g = jax.lax.dot_general(x, wg_ref[0], (((1,), (1,)), ((), ())),
                            preferred_element_type=jnp.float32)
    u = jax.lax.dot_general(x, wu_ref[0], (((1,), (1,)), ((), ())),
                            preferred_element_type=jnp.float32)
    h = g * jax.nn.sigmoid(g) * u
    out_ref[...] = jax.lax.dot_general(h, wd_ref[0], (((1,), (1,)), ((), ())),
                                       preferred_element_type=jnp.float32)


def _moe_mlp(xs, w_gate, w_up, w_down, tile_eid):
    grid_spec = pltpu.PrefetchScalarGridSpec(
        num_scalar_prefetch=1,
        grid=(_NT,),
        in_specs=[
            pl.BlockSpec((_BM, _H), lambda i, eid: (i, 0)),
            pl.BlockSpec((1, _F, _H), lambda i, eid: (eid[i], 0, 0)),
            pl.BlockSpec((1, _F, _H), lambda i, eid: (eid[i], 0, 0)),
            pl.BlockSpec((1, _H, _F), lambda i, eid: (eid[i], 0, 0)),
        ],
        out_specs=pl.BlockSpec((_BM, _H), lambda i, eid: (i, 0)),
    )
    return pl.pallas_call(
        _moe_body,
        grid_spec=grid_spec,
        out_shape=jax.ShapeDtypeStruct((_NPAD, _H), jnp.float32),
    )(tile_eid, xs, w_gate, w_up, w_down)


def _shared_body(x_ref, wg_ref, wu_ref, wd_ref, out_ref):
    x = x_ref[...]
    g = jax.lax.dot_general(x, wg_ref[...], (((1,), (1,)), ((), ())),
                            preferred_element_type=jnp.float32)
    u = jax.lax.dot_general(x, wu_ref[...], (((1,), (1,)), ((), ())),
                            preferred_element_type=jnp.float32)
    h = g * jax.nn.sigmoid(g) * u
    out_ref[...] = jax.lax.dot_general(h, wd_ref[...], (((1,), (1,)), ((), ())),
                                       preferred_element_type=jnp.float32)


def _shared_mlp(x, sw_gate, sw_up, sw_down):
    bms = 256
    return pl.pallas_call(
        _shared_body,
        grid=(_T // bms,),
        in_specs=[
            pl.BlockSpec((bms, _H), lambda i: (i, 0)),
            pl.BlockSpec((_FS, _H), lambda i: (0, 0)),
            pl.BlockSpec((_FS, _H), lambda i: (0, 0)),
            pl.BlockSpec((_H, _FS), lambda i: (0, 0)),
        ],
        out_specs=pl.BlockSpec((bms, _H), lambda i: (i, 0)),
        out_shape=jax.ShapeDtypeStruct((_T, _H), jnp.float32),
    )(x, sw_gate, sw_up, sw_down)


def kernel(hidden_states, gate_w, w_gate, w_up, w_down, sw_gate, sw_up, sw_down):
    b, s, h = hidden_states.shape
    x = hidden_states.reshape(-1, h)

    pos, topk_w, teid = _gate_route(x, gate_w)

    xs = _dispatch(pos[:, 0], pos[:, 1], x)

    out_sorted = _moe_mlp(xs, w_gate, w_up, w_down, teid.reshape(-1)[:_NT])
    shared = _shared_mlp(x, sw_gate, sw_up, sw_down)

    g = out_sorted[pos.reshape(-1)].reshape(_T, _K, _H)
    y = shared + jnp.sum(topk_w[:, :, None] * g, axis=1)
    return y.reshape(b, s, h)

# --- scband reference (transcript-rebuilt; emitter-appended) ---
"""Pipeline reference for scband-flash-deepseek-layer-89773406421359 (READ-ONLY COPY).

The authoritative reference and input builder live on the scoring server;
editing this copy changes nothing except your own understanding.
"""

import jax, jax.numpy as jnp
import numpy as np

E = 8
TOP_K = 2
H = 1024
F = 704
N_SHARED = 2
FS = F * N_SHARED
B = 1
S = 2048


def _silu(x):
    return x * jax.nn.sigmoid(x)


def setup_inputs(seed: int = 0) -> dict:
    key = jax.random.key(seed)
    ks = jax.random.split(key, 8)
    hidden_states = jax.random.normal(ks[0], (B, S, H), dtype=jnp.float32)
    gate_w = jax.random.normal(ks[1], (E, H), dtype=jnp.float32) * 0.02
    w_gate = jax.random.normal(ks[2], (E, F, H), dtype=jnp.float32) * 0.02
    w_up = jax.random.normal(ks[3], (E, F, H), dtype=jnp.float32) * 0.02
    w_down = jax.random.normal(ks[4], (E, H, F), dtype=jnp.float32) * 0.02
    sw_gate = jax.random.normal(ks[5], (FS, H), dtype=jnp.float32) * 0.02
    sw_up = jax.random.normal(ks[6], (FS, H), dtype=jnp.float32) * 0.02
    sw_down = jax.random.normal(ks[7], (H, FS), dtype=jnp.float32) * 0.02
    return {
        'hidden_states': hidden_states,
        'gate_w': gate_w,
        'w_gate': w_gate,
        'w_up': w_up,
        'w_down': w_down,
        'sw_gate': sw_gate,
        'sw_up': sw_up,
        'sw_down': sw_down,
    }


def _mlp(x, wg, wu, wd):
    # DeepseekMLP: down_proj(act(gate_proj(x)) * up_proj(x)), act = silu
    return (_silu(x @ wg.T) * (x @ wu.T)) @ wd.T


def reference(hidden_states, gate_w, w_gate, w_up, w_down, sw_gate, sw_up, sw_down):
    b, s, h = hidden_states.shape
    x = hidden_states.reshape(-1, h)
    t = x.shape[0]
    # --- MoEGate ---
    logits = x @ gate_w.T
    scores = jax.nn.softmax(logits, axis=-1)
    topk_weight, topk_idx = jax.lax.top_k(scores, TOP_K)
    # norm_topk_prob
    denominator = jnp.sum(topk_weight, axis=-1, keepdims=True) + 1e-20
    topk_weight = topk_weight / denominator
    # --- moe_infer: scatter-add of weighted expert outputs ---
    # combine[t, e] = sum of topk weights routing token t to expert e
    combine = jnp.zeros((t, E), dtype=x.dtype).at[
        jnp.arange(t)[:, None], topk_idx
    ].add(topk_weight)
    y = jnp.zeros_like(x)
    for e in range(E):
        y = y + combine[:, e:e + 1] * _mlp(x, w_gate[e], w_up[e], w_down[e])
    # --- shared experts ---
    shared = _mlp(x, sw_gate, sw_up, sw_down)
    out = (y + shared).reshape(b, s, h)
    return out

if __name__ == "__main__":
    import jax
    _d = setup_inputs()
    print(jax.jit(kernel)(*tuple(_d.values())))

</pallas_src>

<mosaic_0001>
#map = affine_map<(d0, d1) -> (0)>
#map1 = affine_map<(d0, d1) -> (0, 0)>
module attributes {stable_mosaic.version = 14 : i64} {
  func.func @moe_dispatch_sc(%arg0: i32, %arg1: i32, %arg2: memref<2048xi32, #tpu.memory_space<hbm>>, %arg3: memref<2048xi32, #tpu.memory_space<hbm>>, %arg4: memref<2048x1024xf32, #tpu.memory_space<hbm>>, %arg5: memref<5120x1024xf32, #tpu.memory_space<hbm>>, %arg6: memref<64xi32, #tpu.memory_space<vmem>>, %arg7: memref<64xi32, #tpu.memory_space<vmem>>, %arg8: memref<64x1024xf32, #tpu.memory_space<vmem>>, %arg9: memref<!tpu.dma_semaphore, #tpu.memory_space<semaphore_mem>>, %arg10: memref<!tpu.dma_semaphore, #tpu.memory_space<semaphore_mem>>) attributes {dimension_semantics = [#tpu.dimension_semantics<core_parallel>, #tpu.dimension_semantics<subcore_parallel>], iteration_bounds = array<i64: 2, 16>, scalar_prefetch = 0 : i64, scratch_operands = 5 : i64, tpu.core_type = #tpu.core_type<sc_vector_subcore>, window_params = [{transform_indices = #map}, {transform_indices = #map}, {transform_indices = #map1}, {transform_indices = #map1}]} {
    %mul3A = arith.constant 16 : i32
    %mul3A_0 = arith.muli %arg0, %mul3A : i32
    %add3A = arith.addi %mul3A_0, %arg1 : i32
    %mul3A_1 = arith.constant 64 : i32
    %mul3A_2 = arith.muli %add3A, %mul3A_1 : i32
    "tpu.region"() ({
      %run_scoped3A = tpu.sem_alloc : memref<!tpu.dma_semaphore, #tpu.memory_space<semaphore_mem>>
      %dma_start3A_13 = tpu.memref_slice %arg2[%mul3A_2] : memref<2048xi32, #tpu.memory_space<hbm>> -> memref<64xi32, #tpu.memory_space<hbm>>
      %dma_start3A_14 = tpu.memref_slice %arg2[%mul3A_2] : memref<2048xi32, #tpu.memory_space<hbm>> -> memref<64xi32, #tpu.memory_space<hbm>>
      tpu.enqueue_dma source(%dma_start3A_14 : memref<64xi32, #tpu.memory_space<hbm>>) target(%arg6 : memref<64xi32, #tpu.memory_space<vmem>>) target_semaphore(%run_scoped3A : memref<!tpu.dma_semaphore, #tpu.memory_space<semaphore_mem>>)
      %dma_wait3A_15 = tpu.memref_slice %arg2[%mul3A_2] : memref<2048xi32, #tpu.memory_space<hbm>> -> memref<64xi32, #tpu.memory_space<hbm>>
      %dma_wait3A_16 = tpu.memref_slice %arg2[%mul3A_2] : memref<2048xi32, #tpu.memory_space<hbm>> -> memref<64xi32, #tpu.memory_space<hbm>>
      tpu.wait_dma2 semaphore(%run_scoped3A : memref<!tpu.dma_semaphore, #tpu.memory_space<semaphore_mem>>) src(%dma_wait3A_16 : memref<64xi32, #tpu.memory_space<hbm>>) dst(%arg6 : memref<64xi32, #tpu.memory_space<vmem>>)
      tpu.yield
    }) : () -> ()
    "tpu.region"() ({
      %run_scoped3A = tpu.sem_alloc : memref<!tpu.dma_semaphore, #tpu.memory_space<semaphore_mem>>
      %dma_start3A_13 = tpu.memref_slice %arg3[%mul3A_2] : memref<2048xi32, #tpu.memory_space<hbm>> -> memref<64xi32, #tpu.memory_space<hbm>>
      %dma_start3A_14 = tpu.memref_slice %arg3[%mul3A_2] : memref<2048xi32, #tpu.memory_space<hbm>> -> memref<64xi32, #tpu.memory_space<hbm>>
      tpu.enqueue_dma source(%dma_start3A_14 : memref<64xi32, #tpu.memory_space<hbm>>) target(%arg7 : memref<64xi32, #tpu.memory_space<vmem>>) target_semaphore(%run_scoped3A : memref<!tpu.dma_semaphore, #tpu.memory_space<semaphore_mem>>)
      %dma_wait3A_15 = tpu.memref_slice %arg3[%mul3A_2] : memref<2048xi32, #tpu.memory_space<hbm>> -> memref<64xi32, #tpu.memory_space<hbm>>
      %dma_wait3A_16 = tpu.memref_slice %arg3[%mul3A_2] : memref<2048xi32, #tpu.memory_space<hbm>> -> memref<64xi32, #tpu.memory_space<hbm>>
      tpu.wait_dma2 semaphore(%run_scoped3A : memref<!tpu.dma_semaphore, #tpu.memory_space<semaphore_mem>>) src(%dma_wait3A_16 : memref<64xi32, #tpu.memory_space<hbm>>) dst(%arg7 : memref<64xi32, #tpu.memory_space<vmem>>)
      tpu.yield
    }) : () -> ()
    "tpu.region"() ({
      %run_scoped3A = tpu.sem_alloc : memref<!tpu.dma_semaphore, #tpu.memory_space<semaphore_mem>>
      %dma_start3A_13 = arith.constant 0 : i32
      %dma_start3A_14 = tpu.memref_slice %arg4[%mul3A_2, %dma_start3A_13] : memref<2048x1024xf32, #tpu.memory_space<hbm>> -> memref<64x1024xf32, #tpu.memory_space<hbm>>
      %dma_start3A_15 = arith.constant 0 : i32
      %dma_start3A_16 = tpu.memref_slice %arg4[%mul3A_2, %dma_start3A_15] : memref<2048x1024xf32, #tpu.memory_space<hbm>> -> memref<64x1024xf32, #tpu.memory_space<hbm>>
      tpu.enqueue_dma source(%dma_start3A_16 : memref<64x1024xf32, #tpu.memory_space<hbm>>) target(%arg8 : memref<64x1024xf32, #tpu.memory_space<vmem>>) target_semaphore(%run_scoped3A : memref<!tpu.dma_semaphore, #tpu.memory_space<semaphore_mem>>)
      %dma_wait3A_17 = arith.constant 0 : i32
      %dma_wait3A_18 = tpu.memref_slice %arg4[%mul3A_2, %dma_wait3A_17] : memref<2048x1024xf32, #tpu.memory_space<hbm>> -> memref<64x1024xf32, #tpu.memory_space<hbm>>
      %dma_wait3A_19 = arith.constant 0 : i32
      %dma_wait3A_20 = tpu.memref_slice %arg4[%mul3A_2, %dma_wait3A_19] : memref<2048x1024xf32, #tpu.memory_space<hbm>> -> memref<64x1024xf32, #tpu.memory_space<hbm>>
      tpu.wait_dma2 semaphore(%run_scoped3A : memref<!tpu.dma_semaphore, #tpu.memory_space<semaphore_mem>>) src(%dma_wait3A_20 : memref<64x1024xf32, #tpu.memory_space<hbm>>) dst(%arg8 : memref<64x1024xf32, #tpu.memory_space<vmem>>)
      tpu.yield
    }) : () -> ()
    %dma_start3A = arith.constant 0 : i32
    %dma_start3A_3 = arith.constant 0 : i32
    %dma_start3A_4 = tpu.memref_slice %arg5[%dma_start3A, %dma_start3A_3] : memref<5120x1024xf32, #tpu.memory_space<hbm>> -> memref<5120x1024xf32, #tpu.memory_space<hbm>>
    tpu.enqueue_indirect_dma source(%arg8 : memref<64x1024xf32, #tpu.memory_space<vmem>>) target(%dma_start3A_4 : memref<5120x1024xf32, #tpu.memory_space<hbm>>) offsets(%arg6 : memref<64xi32, #tpu.memory_space<vmem>>) semaphore(%arg9 : memref<!tpu.dma_semaphore, #tpu.memory_space<semaphore_mem>>)
    %dma_start3A_5 = arith.constant 0 : i32
    %dma_start3A_6 = arith.constant 0 : i32
    %dma_start3A_7 = tpu.memref_slice %arg5[%dma_start3A_5, %dma_start3A_6] : memref<5120x1024xf32, #tpu.memory_space<hbm>> -> memref<5120x1024xf32, #tpu.memory_space<hbm>>
    tpu.enqueue_indirect_dma source(%arg8 : memref<64x1024xf32, #tpu.memory_space<vmem>>) target(%dma_start3A_7 : memref<5120x1024xf32, #tpu.memory_space<hbm>>) offsets(%arg7 : memref<64xi32, #tpu.memory_space<vmem>>) semaphore(%arg10 : memref<!tpu.dma_semaphore, #tpu.memory_space<semaphore_mem>>)
    %dma_wait3A = arith.constant 0 : i32
    %dma_wait3A_8 = arith.constant 0 : i32
    %dma_wait3A_9 = tpu.memref_slice %arg5[%dma_wait3A, %dma_wait3A_8] : memref<5120x1024xf32, #tpu.memory_space<hbm>> -> memref<5120x1024xf32, #tpu.memory_space<hbm>>
    tpu.wait_indirect_dma semaphore(%arg9 : memref<!tpu.dma_semaphore, #tpu.memory_space<semaphore_mem>>) src(%arg8 : memref<64x1024xf32, #tpu.memory_space<vmem>>) dst(%dma_wait3A_9 : memref<5120x1024xf32, #tpu.memory_space<hbm>>)
    %dma_wait3A_10 = arith.constant 0 : i32
    %dma_wait3A_11 = arith.constant 0 : i32
    %dma_wait3A_12 = tpu.memref_slice %arg5[%dma_wait3A_10, %dma_wait3A_11] : memref<5120x1024xf32, #tpu.memory_space<hbm>> -> memref<5120x1024xf32, #tpu.memory_space<hbm>>
    tpu.wait_indirect_dma semaphore(%arg10 : memref<!tpu.dma_semaphore, #tpu.memory_space<semaphore_mem>>) src(%arg8 : memref<64x1024xf32, #tpu.memory_space<vmem>>) dst(%dma_wait3A_12 : memref<5120x1024xf32, #tpu.memory_space<hbm>>)
    return
  }
}

module attributes {stable_mosaic.version = 14 : i64} {
  func.func @_gate_body(%arg0: memref<2048x1024xf32, #tpu.memory_space<vmem>>, %arg1: memref<8x1024xf32, #tpu.memory_space<vmem>>, %arg2: memref<2048x2xi32, #tpu.memory_space<vmem>>, %arg3: memref<2048x2xf32, #tpu.memory_space<vmem>>, %arg4: memref<1x48xi32, #tpu.memory_space<vmem>>, %arg5: memref<2048x8xf32, #tpu.memory_space<vmem>>) attributes {dimension_semantics = [], scalar_prefetch = 0 : i64, scratch_operands = 1 : i64, tpu.core_type = #tpu.core_type<tc>} {
    %get3A = arith.constant 0 : index
    %get3A_0 = arith.constant 0 : index
    %get3A_1 = vector.load %arg0[%get3A, %get3A_0] : memref<2048x1024xf32, #tpu.memory_space<vmem>>, vector<2048x1024xf32>
    %get3A_2 = arith.constant 0 : index
    %get3A_3 = arith.constant 0 : index
    %get3A_4 = vector.load %arg1[%get3A_2, %get3A_3] : memref<8x1024xf32, #tpu.memory_space<vmem>>, vector<8x1024xf32>
    %dot_general3A = arith.constant dense<0.000000e+00> : vector<2048x8xf32>
    %dot_general3A_5 = tpu.matmul %get3A_1, %get3A_4, %dot_general3A {dimension_numbers = #tpu.dot_dimension_numbers<[1], [1], [0], [0], [0, 0, 1, 0], [], []>, transpose_lhs_hint = false} : vector<2048x1024xf32>, vector<8x1024xf32>, vector<2048x8xf32> -> vector<2048x8xf32>
    %reduce_max3A = arith.constant dense<0xFF800000> : vector<2048xf32>
    %reduce_max3A_6 = vector.multi_reduction <maximumf>, %dot_general3A_5, %reduce_max3A [1] : vector<2048x8xf32> to vector<2048xf32>
    %broadcast_in_dim3A = vector.shape_cast %reduce_max3A_6 : vector<2048xf32> to vector<2048x1xf32>
    %sub3A = vector.broadcast %broadcast_in_dim3A : vector<2048x1xf32> to vector<2048x8xf32>
    %sub3A_7 = arith.subf %dot_general3A_5, %sub3A : vector<2048x8xf32>
    %exp3A = math.exp %sub3A_7 : vector<2048x8xf32>
    %reduce_sum3A = arith.constant dense<0.000000e+00> : vector<2048xf32>
    %reduce_sum3A_8 = vector.multi_reduction <add>, %exp3A, %reduce_sum3A [1] : vector<2048x8xf32> to vector<2048xf32>
    %broadcast_in_dim3A_9 = vector.shape_cast %reduce_sum3A_8 : vector<2048xf32> to vector<2048x1xf32>
    %div3A = vector.broadcast %broadcast_in_dim3A_9 : vector<2048x1xf32> to vector<2048x8xf32>
    %div3A_10 = arith.divf %exp3A, %div3A : vector<2048x8xf32>
    %iota3A = tpu.iota {dimensions = array<i32: 1>} : vector<2048x8xi32>
    %reduce_max3A_11 = arith.constant dense<0xFF800000> : vector<2048xf32>
    %reduce_max3A_12 = vector.multi_reduction <maximumf>, %div3A_10, %reduce_max3A_11 [1] : vector<2048x8xf32> to vector<2048xf32>
    %broadcast_in_dim3A_13 = vector.shape_cast %reduce_max3A_12 : vector<2048xf32> to vector<2048x1xf32>
    %eq3A = vector.broadcast %broadcast_in_dim3A_13 : vector<2048x1xf32> to vector<2048x8xf32>
    %eq3A_14 = arith.cmpf oeq, %div3A_10, %eq3A : vector<2048x8xf32>
    %jit3A = arith.constant 8 : i32
    %broadcast_in_dim3A_15 = vector.broadcast %jit3A : i32 to vector<2048x8xi32>
    %select_n3A = arith.select %eq3A_14, %iota3A, %broadcast_in_dim3A_15 : vector<2048x8xi1>, vector<2048x8xi32>
    %reduce_min3A = arith.constant dense<2147483647> : vector<2048xi32>
    %reduce_min3A_16 = vector.multi_reduction <minsi>, %select_n3A, %reduce_min3A [1] : vector<2048x8xi32> to vector<2048xi32>
    %broadcast_in_dim3A_17 = vector.shape_cast %reduce_min3A_16 : vector<2048xi32> to vector<2048x1xi32>
    %eq3A_18 = vector.broadcast %broadcast_in_dim3A_17 : vector<2048x1xi32> to vector<2048x8xi32>
    %eq3A_19 = arith.cmpi eq, %iota3A, %eq3A_18 : vector<2048x8xi32>
    %jit3A_20 = arith.constant 0xFF800000 : f32
    %broadcast_in_dim3A_21 = vector.broadcast %jit3A_20 : f32 to vector<2048x8xf32>
    %select_n3A_22 = arith.select %eq3A_19, %broadcast_in_dim3A_21, %div3A_10 : vector<2048x8xi1>, vector<2048x8xf32>
    %reduce_max3A_23 = arith.constant dense<0xFF800000> : vector<2048xf32>
    %reduce_max3A_24 = vector.multi_reduction <maximumf>, %select_n3A_22, %reduce_max3A_23 [1] : vector<2048x8xf32> to vector<2048xf32>
    %broadcast_in_dim3A_25 = vector.shape_cast %reduce_max3A_24 : vector<2048xf32> to vector<2048x1xf32>
    %eq3A_26 = vector.broadcast %broadcast_in_dim3A_25 : vector<2048x1xf32> to vector<2048x8xf32>
    %eq3A_27 = arith.cmpf oeq, %select_n3A_22, %eq3A_26 : vector<2048x8xf32>
    %jit3A_28 = arith.constant 8 : i32
    %broadcast_in_dim3A_29 = vector.broadcast %jit3A_28 : i32 to vector<2048x8xi32>
    %select_n3A_30 = arith.select %eq3A_27, %iota3A, %broadcast_in_dim3A_29 : vector<2048x8xi1>, vector<2048x8xi32>
    %reduce_min3A_31 = arith.constant dense<2147483647> : vector<2048xi32>
    %reduce_min3A_32 = vector.multi_reduction <minsi>, %select_n3A_30, %reduce_min3A_31 [1] : vector<2048x8xi32> to vector<2048xi32>
    %broadcast_in_dim3A_33 = vector.shape_cast %reduce_min3A_32 : vector<2048xi32> to vector<2048x1xi32>
    %add3A = arith.addf %broadcast_in_dim3A_13, %broadcast_in_dim3A_25 : vector<2048x1xf32>
    %add3A_34 = arith.constant 9.99999968E-21 : f32
    %add3A_35 = vector.broadcast %add3A_34 : f32 to vector<2048x1xf32>
    %add3A_36 = arith.addf %add3A, %add3A_35 : vector<2048x1xf32>
    %div3A_37 = arith.divf %broadcast_in_dim3A_13, %add3A_36 : vector<2048x1xf32>
    %div3A_38 = arith.divf %broadcast_in_dim3A_25, %add3A_36 : vector<2048x1xf32>
    %concatenate3A = tpu.concatenate %div3A_37, %div3A_38 in 1 : vector<2048x1xf32>, vector<2048x1xf32> -> vector<2048x2xf32>
    %swap3A = arith.constant 0 : index
    %swap3A_39 = arith.constant 0 : index
    %swap3A_40 = vector.load %arg3[%swap3A, %swap3A_39] : memref<2048x2xf32, #tpu.memory_space<vmem>>, vector<2048x2xf32>
    tpu.vector_store %arg3[%swap3A, %swap3A_39], %concatenate3A {strides = array<i32>} : memref<2048x2xf32, #tpu.memory_space<vmem>>, vector<2048x2xf32>,
    %eq3A_41 = vector.broadcast %broadcast_in_dim3A_17 : vector<2048x1xi32> to vector<2048x8xi32>
    %eq3A_42 = arith.cmpi eq, %iota3A, %eq3A_41 : vector<2048x8xi32>
    %jit3A_43 = arith.constant 1.000000e+00 : f32
    %jit3A_44 = arith.constant 0.000000e+00 : f32
    %broadcast_in_dim3A_45 = vector.broadcast %jit3A_43 : f32 to vector<2048x8xf32>
    %broadcast_in_dim3A_46 = vector.broadcast %jit3A_44 : f32 to vector<2048x8xf32>
    %select_n3A_47 = arith.select %eq3A_42, %broadcast_in_dim3A_45, %broadcast_in_dim3A_46 : vector<2048x8xi1>, vector<2048x8xf32>
    %eq3A_48 = vector.broadcast %broadcast_in_dim3A_33 : vector<2048x1xi32> to vector<2048x8xi32>
    %eq3A_49 = arith.cmpi eq, %iota3A, %eq3A_48 : vector<2048x8xi32>
    %jit3A_50 = arith.constant 1.000000e+00 : f32
    %jit3A_51 = arith.constant 0.000000e+00 : f32
    %broadcast_in_dim3A_52 = vector.broadcast %jit3A_50 : f32 to vector<2048x8xf32>
    %broadcast_in_dim3A_53 = vector.broadcast %jit3A_51 : f32 to vector<2048x8xf32>
    %select_n3A_54 = arith.select %eq3A_49, %broadcast_in_dim3A_52, %broadcast_in_dim3A_53 : vector<2048x8xi1>, vector<2048x8xf32>
    %add3A_55 = arith.addf %select_n3A_47, %select_n3A_54 : vector<2048x8xf32>
    %iota3A_56 = tpu.iota {dimensions = array<i32: 0>} : vector<256x256xi32>
    %iota3A_57 = tpu.iota {dimensions = array<i32: 1>} : vector<256x256xi32>
    %gt3A = arith.cmpi sgt, %iota3A_56, %iota3A_57 : vector<256x256xi32>
    %jit3A_58 = arith.constant 1.000000e+00 : f32
    %jit3A_59 = arith.constant 0.000000e+00 : f32
    %broadcast_in_dim3A_60 = vector.broadcast %jit3A_58 : f32 to vector<256x256xf32>
    %broadcast_in_dim3A_61 = vector.broadcast %jit3A_59 : f32 to vector<256x256xf32>
    %select_n3A_62 = arith.select %gt3A, %broadcast_in_dim3A_60, %broadcast_in_dim3A_61 : vector<256x256xi1>, vector<256x256xf32>
    %broadcast_in_dim3A_63 = arith.constant 0.000000e+00 : f32
    %broadcast_in_dim3A_64 = vector.broadcast %broadcast_in_dim3A_63 : f32 to vector<1x8xf32>
    %slice3A = vector.extract_strided_slice %add3A_55 {offsets = [0, 0], sizes = [256, 8], strides = [1, 1]} : vector<2048x8xf32> to vector<256x8xf32>
    %dot_general3A_65 = arith.constant dense<0.000000e+00> : vector<256x8xf32>
    %dot_general3A_66 = tpu.matmul %select_n3A_62, %slice3A, %dot_general3A_65 {dimension_numbers = #tpu.dot_dimension_numbers<[1], [0], [0], [1], [0, 0, 1, 1], [], []>, transpose_lhs_hint = false} : vector<256x256xf32>, vector<256x8xf32>, vector<256x8xf32> -> vector<256x8xf32>
    %add3A_67 = vector.broadcast %broadcast_in_dim3A_64 : vector<1x8xf32> to vector<256x8xf32>
    %add3A_68 = arith.addf %dot_general3A_66, %add3A_67 : vector<256x8xf32>
    %swap3A_69 = arith.constant 0 : index
    %swap3A_70 = arith.constant 0 : index
    %swap3A_71 = vector.load %arg5[%swap3A_69, %swap3A_70] : memref<2048x8xf32, #tpu.memory_space<vmem>>, vector<256x8xf32>
    tpu.vector_store %arg5[%swap3A_69, %swap3A_70], %add3A_68 {strides = array<i32>} : memref<2048x8xf32, #tpu.memory_space<vmem>>, vector<256x8xf32>,
    %reduce_sum3A_72 = arith.constant dense<0.000000e+00> : vector<8xf32>
    %reduce_sum3A_73 = vector.multi_reduction <add>, %slice3A, %reduce_sum3A_72 [0] : vector<256x8xf32> to vector<8xf32>
    %broadcast_in_dim3A_74 = vector.shape_cast %reduce_sum3A_73 : vector<8xf32> to vector<1x8xf32>
    %add3A_75 = arith.addf %broadcast_in_dim3A_64, %broadcast_in_dim3A_74 : vector<1x8xf32>
    %slice3A_76 = vector.extract_strided_slice %add3A_55 {offsets = [256, 0], sizes = [256, 8], strides = [1, 1]} : vector<2048x8xf32> to vector<256x8xf32>
    %dot_general3A_77 = arith.constant dense<0.000000e+00> : vector<256x8xf32>
    %dot_general3A_78 = tpu.matmul %select_n3A_62, %slice3A_76, %dot_general3A_77 {dimension_numbers = #tpu.dot_dimension_numbers<[1], [0], [0], [1], [0, 0, 1, 1], [], []>, transpose_lhs_hint = false} : vector<256x256xf32>, vector<256x8xf32>, vector<256x8xf32> -> vector<256x8xf32>
    %add3A_79 = vector.broadcast %add3A_75 : vector<1x8xf32> to vector<256x8xf32>
    %add3A_80 = arith.addf %dot_general3A_78, %add3A_79 : vector<256x8xf32>
    %swap3A_81 = arith.constant 256 : index
    %swap3A_82 = arith.constant 0 : index
    %swap3A_83 = vector.load %arg5[%swap3A_81, %swap3A_82] : memref<2048x8xf32, #tpu.memory_space<vmem>>, vector<256x8xf32>
    tpu.vector_store %arg5[%swap3A_81, %swap3A_82], %add3A_80 {strides = array<i32>} : memref<2048x8xf32, #tpu.memory_space<vmem>>, vector<256x8xf32>,
    %reduce_sum3A_84 = arith.constant dense<0.000000e+00> : vector<8xf32>
    %reduce_sum3A_85 = vector.multi_reduction <add>, %slice3A_76, %reduce_sum3A_84 [0] : vector<256x8xf32> to vector<8xf32>
    %broadcast_in_dim3A_86 = vector.shape_cast %reduce_sum3A_85 : vector<8xf32> to vector<1x8xf32>
    %add3A_87 = arith.addf %add3A_75, %broadcast_in_dim3A_86 : vector<1x8xf32>
    %slice3A_88 = vector.extract_strided_slice %add3A_55 {offsets = [512, 0], sizes = [256, 8], strides = [1, 1]} : vector<2048x8xf32> to vector<256x8xf32>
    %dot_general3A_89 = arith.constant dense<0.000000e+00> : vector<256x8xf32>
    %dot_general3A_90 = tpu.matmul %select_n3A_62, %slice3A_88, %dot_general3A_89 {dimension_numbers = #tpu.dot_dimension_numbers<[1], [0], [0], [1], [0, 0, 1, 1], [], []>, transpose_lhs_hint = false} : vector<256x256xf32>, vector<256x8xf32>, vector<256x8xf32> -> vector<256x8xf32>
    %add3A_91 = vector.broadcast %add3A_87 : vector<1x8xf32> to vector<256x8xf32>
    %add3A_92 = arith.addf %dot_general3A_90, %add3A_91 : vector<256x8xf32>
    %swap3A_93 = arith.constant 512 : index
    %swap3A_94 = arith.constant 0 : index
    %swap3A_95 = vector.load %arg5[%swap3A_93, %swap3A_94] : memref<2048x8xf32, #tpu.memory_space<vmem>>, vector<256x8xf32>
    tpu.vector_store %arg5[%swap3A_93, %swap3A_94], %add3A_92 {strides = array<i32>} : memref<2048x8xf32, #tpu.memory_space<vmem>>, vector<256x8xf32>,
    %reduce_sum3A_96 = arith.constant dense<0.000000e+00> : vector<8xf32>
    %reduce_sum3A_97 = vector.multi_reduction <add>, %slice3A_88, %reduce_sum3A_96 [0] : vector<256x8xf32> to vector<8xf32>
    %broadcast_in_dim3A_98 = vector.shape_cast %reduce_sum3A_97 : vector<8xf32> to vector<1x8xf32>
    %add3A_99 = arith.addf %add3A_87, %broadcast_in_dim3A_98 : vector<1x8xf32>
    %slice3A_100 = vector.extract_strided_slice %add3A_55 {offsets = [768, 0], sizes = [256, 8], strides = [1, 1]} : vector<2048x8xf32> to vector<256x8xf32>
    %dot_general3A_101 = arith.constant dense<0.000000e+00> : vector<256x8xf32>
    %dot_general3A_102 = tpu.matmul %select_n3A_62, %slice3A_100, %dot_general3A_101 {dimension_numbers = #tpu.dot_dimension_numbers<[1], [0], [0], [1], [0, 0, 1, 1], [], []>, transpose_lhs_hint = false} : vector<256x256xf32>, vector<256x8xf32>, vector<256x8xf32> -> vector<256x8xf32>
    %add3A_103 = vector.broadcast %add3A_99 : vector<1x8xf32> to vector<256x8xf32>
    %add3A_104 = arith.addf %dot_general3A_102, %add3A_103 : vector<256x8xf32>
    %swap3A_105 = arith.constant 768 : index
    %swap3A_106 = arith.constant 0 : index
    %swap3A_107 = vector.load %arg5[%swap3A_105, %swap3A_106] : memref<2048x8xf32, #tpu.memory_space<vmem>>, vector<256x8xf32>
    tpu.vector_store %arg5[%swap3A_105, %swap3A_106], %add3A_104 {strides = array<i32>} : memref<2048x8xf32, #tpu.memory_space<vmem>>, vector<256x8xf32>,
    %reduce_sum3A_108 = arith.constant dense<0.000000e+00> : vector<8xf32>
    %reduce_sum3A_109 = vector.multi_reduction <add>, %slice3A_100, %reduce_sum3A_108 [0] : vector<256x8xf32> to vector<8xf32>
    %broadcast_in_dim3A_110 = vector.shape_cast %reduce_sum3A_109 : vector<8xf32> to vector<1x8xf32>
    %add3A_111 = arith.addf %add3A_99, %broadcast_in_dim3A_110 : vector<1x8xf32>
    %slice3A_112 = vector.extract_strided_slice %add3A_55 {offsets = [1024, 0], sizes = [256, 8], strides = [1, 1]} : vector<2048x8xf32> to vector<256x8xf32>
    %dot_general3A_113 = arith.constant dense<0.000000e+00> : vector<256x8xf32>
    %dot_general3A_114 = tpu.matmul %select_n3A_62, %slice3A_112, %dot_general3A_113 {dimension_numbers = #tpu.dot_dimension_numbers<[1], [0], [0], [1], [0, 0, 1, 1], [], []>, transpose_lhs_hint = false} : vector<256x256xf32>, vector<256x8xf32>, vector<256x8xf32> -> vector<256x8xf32>
    %add3A_115 = vector.broadcast %add3A_111 : vector<1x8xf32> to vector<256x8xf32>
    %add3A_116 = arith.addf %dot_general3A_114, %add3A_115 : vector<256x8xf32>
    %swap3A_117 = arith.constant 1024 : index
    %swap3A_118 = arith.constant 0 : index
    %swap3A_119 = vector.load %arg5[%swap3A_117, %swap3A_118] : memref<2048x8xf32, #tpu.memory_space<vmem>>, vector<256x8xf32>
    tpu.vector_store %arg5[%swap3A_117, %swap3A_118], %add3A_116 {strides = array<i32>} : memref<2048x8xf32, #tpu.memory_space<vmem>>, vector<256x8xf32>,
    %reduce_sum3A_120 = arith.constant dense<0.000000e+00> : vector<8xf32>
    %reduce_sum3A_121 = vector.multi_reduction <add>, %slice3A_112, %reduce_sum3A_120 [0] : vector<256x8xf32> to vector<8xf32>
    %broadcast_in_dim3A_122 = vector.shape_cast %reduce_sum3A_121 : vector<8xf32> to vector<1x8xf32>
    %add3A_123 = arith.addf %add3A_111, %broadcast_in_dim3A_122 : vector<1x8xf32>
    %slice3A_124 = vector.extract_strided_slice %add3A_55 {offsets = [1280, 0], sizes = [256, 8], strides = [1, 1]} : vector<2048x8xf32> to vector<256x8xf32>
    %dot_general3A_125 = arith.constant dense<0.000000e+00> : vector<256x8xf32>
    %dot_general3A_126 = tpu.matmul %select_n3A_62, %slice3A_124, %dot_general3A_125 {dimension_numbers = #tpu.dot_dimension_numbers<[1], [0], [0], [1], [0, 0, 1, 1], [], []>, transpose_lhs_hint = false} : vector<256x256xf32>, vector<256x8xf32>, vector<256x8xf32> -> vector<256x8xf32>
    %add3A_127 = vector.broadcast %add3A_123 : vector<1x8xf32> to vector<256x8xf32>
    %add3A_128 = arith.addf %dot_general3A_126, %add3A_127 : vector<256x8xf32>
    %swap3A_129 = arith.constant 1280 : index
    %swap3A_130 = arith.constant 0 : index
    %swap3A_131 = vector.load %arg5[%swap3A_129, %swap3A_130] : memref<2048x8xf32, #tpu.memory_space<vmem>>, vector<256x8xf32>
    tpu.vector_store %arg5[%swap3A_129, %swap3A_130], %add3A_128 {strides = array<i32>} : memref<2048x8xf32, #tpu.memory_space<vmem>>, vector<256x8xf32>,
    %reduce_sum3A_132 = arith.constant dense<0.000000e+00> : vector<8xf32>
    %reduce_sum3A_133 = vector.multi_reduction <add>, %slice3A_124, %reduce_sum3A_132 [0] : vector<256x8xf32> to vector<8xf32>
    %broadcast_in_dim3A_134 = vector.shape_cast %reduce_sum3A_133 : vector<8xf32> to vector<1x8xf32>
    %add3A_135 = arith.addf %add3A_123, %broadcast_in_dim3A_134 : vector<1x8xf32>
    %slice3A_136 = vector.extract_strided_slice %add3A_55 {offsets = [1536, 0], sizes = [256, 8], strides = [1, 1]} : vector<2048x8xf32> to vector<256x8xf32>
    %dot_general3A_137 = arith.constant dense<0.000000e+00> : vector<256x8xf32>
    %dot_general3A_138 = tpu.matmul %select_n3A_62, %slice3A_136, %dot_general3A_137 {dimension_numbers = #tpu.dot_dimension_numbers<[1], [0], [0], [1], [0, 0, 1, 1], [], []>, transpose_lhs_hint = false} : vector<256x256xf32>, vector<256x8xf32>, vector<256x8xf32> -> vector<256x8xf32>
    %add3A_139 = vector.broadcast %add3A_135 : vector<1x8xf32> to vector<256x8xf32>
    %add3A_140 = arith.addf %dot_general3A_138, %add3A_139 : vector<256x8xf32>
    %swap3A_141 = arith.constant 1536 : index
    %swap3A_142 = arith.constant 0 : index
    %swap3A_143 = vector.load %arg5[%swap3A_141, %swap3A_142] : memref<2048x8xf32, #tpu.memory_space<vmem>>, vector<256x8xf32>
    tpu.vector_store %arg5[%swap3A_141, %swap3A_142], %add3A_140 {strides = array<i32>} : memref<2048x8xf32, #tpu.memory_space<vmem>>, vector<256x8xf32>,
    %reduce_sum3A_144 = arith.constant dense<0.000000e+00> : vector<8xf32>
    %reduce_sum3A_145 = vector.multi_reduction <add>, %slice3A_136, %reduce_sum3A_144 [0] : vector<256x8xf32> to vector<8xf32>
    %broadcast_in_dim3A_146 = vector.shape_cast %reduce_sum3A_145 : vector<8xf32> to vector<1x8xf32>
    %add3A_147 = arith.addf %add3A_135, %broadcast_in_dim3A_146 : vector<1x8xf32>
    %slice3A_148 = vector.extract_strided_slice %add3A_55 {offsets = [1792, 0], sizes = [256, 8], strides = [1, 1]} : vector<2048x8xf32> to vector<256x8xf32>
    %dot_general3A_149 = arith.constant dense<0.000000e+00> : vector<256x8xf32>
    %dot_general3A_150 = tpu.matmul %select_n3A_62, %slice3A_148, %dot_general3A_149 {dimension_numbers = #tpu.dot_dimension_numbers<[1], [0], [0], [1], [0, 0, 1, 1], [], []>, transpose_lhs_hint = false} : vector<256x256xf32>, vector<256x8xf32>, vector<256x8xf32> -> vector<256x8xf32>
    %add3A_151 = vector.broadcast %add3A_147 : vector<1x8xf32> to vector<256x8xf32>
    %add3A_152 = arith.addf %dot_general3A_150, %add3A_151 : vector<256x8xf32>
    %swap3A_153 = arith.constant 1792 : index
    %swap3A_154 = arith.constant 0 : index
    %swap3A_155 = vector.load %arg5[%swap3A_153, %swap3A_154] : memref<2048x8xf32, #tpu.memory_space<vmem>>, vector<256x8xf32>
    tpu.vector_store %arg5[%swap3A_153, %swap3A_154], %add3A_152 {strides = array<i32>} : memref<2048x8xf32, #tpu.memory_space<vmem>>, vector<256x8xf32>,
    %reduce_sum3A_156 = arith.constant dense<0.000000e+00> : vector<8xf32>
    %reduce_sum3A_157 = vector.multi_reduction <add>, %slice3A_148, %reduce_sum3A_156 [0] : vector<256x8xf32> to vector<8xf32>
    %broadcast_in_dim3A_158 = vector.shape_cast %reduce_sum3A_157 : vector<8xf32> to vector<1x8xf32>
    %add3A_159 = arith.addf %add3A_147, %broadcast_in_dim3A_158 : vector<1x8xf32>
    %get3A_160 = arith.constant 0 : index
    %get3A_161 = arith.constant 0 : index
    %get3A_162 = vector.load %arg5[%get3A_160, %get3A_161] : memref<2048x8xf32, #tpu.memory_space<vmem>>, vector<2048x8xf32>
    %add3A_163 = arith.constant 1.270000e+02 : f32
    %add3A_164 = vector.broadcast %add3A_163 : f32 to vector<1x8xf32>
    %add3A_165 = arith.addf %add3A_159, %add3A_164 : vector<1x8xf32>
    %div3A_166 = arith.constant 1.280000e+02 : f32
    %div3A_167 = vector.broadcast %div3A_166 : f32 to vector<1x8xf32>
    %div3A_168 = arith.divf %add3A_165, %div3A_167 : vector<1x8xf32>
    %floor3A = math.floor %div3A_168 : vector<1x8xf32>
    %mul3A = arith.constant 1.280000e+02 : f32
    %mul3A_169 = vector.broadcast %mul3A : f32 to vector<1x8xf32>
    %mul3A_170 = arith.mulf %floor3A, %mul3A_169 : vector<1x8xf32>
    %iota3A_171 = tpu.iota {dimensions = array<i32: 0>} : vector<8x8xi32>
    %iota3A_172 = tpu.iota {dimensions = array<i32: 1>} : vector<8x8xi32>
    %le3A = arith.cmpi sle, %iota3A_171, %iota3A_172 : vector<8x8xi32>
    %jit3A_173 = arith.constant 1.000000e+00 : f32
    %jit3A_174 = arith.constant 0.000000e+00 : f32
    %broadcast_in_dim3A_175 = vector.broadcast %jit3A_173 : f32 to vector<8x8xf32>
    %broadcast_in_dim3A_176 = vector.broadcast %jit3A_174 : f32 to vector<8x8xf32>
    %select_n3A_177 = arith.select %le3A, %broadcast_in_dim3A_175, %broadcast_in_dim3A_176 : vector<8x8xi1>, vector<8x8xf32>
    %dot_general3A_178 = arith.constant dense<0.000000e+00> : vector<1x8xf32>
    %dot_general3A_179 = tpu.matmul %mul3A_170, %select_n3A_177, %dot_general3A_178 {dimension_numbers = #tpu.dot_dimension_numbers<[1], [0], [0], [1], [0, 0, 1, 1], [], []>, transpose_lhs_hint = false} : vector<1x8xf32>, vector<8x8xf32>, vector<1x8xf32> -> vector<1x8xf32>
    %sub3A_180 = arith.subf %dot_general3A_179, %mul3A_170 : vector<1x8xf32>
    %add3A_181 = vector.broadcast %sub3A_180 : vector<1x8xf32> to vector<2048x8xf32>
    %add3A_182 = arith.addf %add3A_181, %get3A_162 : vector<2048x8xf32>
    %mul3A_183 = arith.mulf %select_n3A_47, %add3A_182 : vector<2048x8xf32>
    %reduce_sum3A_184 = arith.constant dense<0.000000e+00> : vector<2048xf32>
    %reduce_sum3A_185 = vector.multi_reduction <add>, %mul3A_183, %reduce_sum3A_184 [1] : vector<2048x8xf32> to vector<2048xf32>
    %broadcast_in_dim3A_186 = vector.shape_cast %reduce_sum3A_185 : vector<2048xf32> to vector<2048x1xf32>
    %add3A_187 = vector.broadcast %sub3A_180 : vector<1x8xf32> to vector<2048x8xf32>
    %add3A_188 = arith.addf %add3A_187, %get3A_162 : vector<2048x8xf32>
    %add3A_189 = arith.addf %add3A_188, %select_n3A_47 : vector<2048x8xf32>
    %mul3A_190 = arith.mulf %select_n3A_54, %add3A_189 : vector<2048x8xf32>
    %reduce_sum3A_191 = arith.constant dense<0.000000e+00> : vector<2048xf32>
    %reduce_sum3A_192 = vector.multi_reduction <add>, %mul3A_190, %reduce_sum3A_191 [1] : vector<2048x8xf32> to vector<2048xf32>
    %broadcast_in_dim3A_193 = vector.shape_cast %reduce_sum3A_192 : vector<2048xf32> to vector<2048x1xf32>
    %concatenate3A_194 = tpu.concatenate %broadcast_in_dim3A_186, %broadcast_in_dim3A_193 in 1 : vector<2048x1xf32>, vector<2048x1xf32> -> vector<2048x2xf32>
    %convert_element_type3A = arith.fptosi %concatenate3A_194 : vector<2048x2xf32> to vector<2048x2xi32>
    %swap3A_195 = arith.constant 0 : index
    %swap3A_196 = arith.constant 0 : index
    %swap3A_197 = vector.load %arg2[%swap3A_195, %swap3A_196] : memref<2048x2xi32, #tpu.memory_space<vmem>>, vector<2048x2xi32>
    tpu.vector_store %arg2[%swap3A_195, %swap3A_196], %convert_element_type3A {strides = array<i32>} : memref<2048x2xi32, #tpu.memory_space<vmem>>, vector<2048x2xi32>,
    %iota3A_198 = tpu.iota {dimensions = array<i32: 0>} : vector<48x8xi32>
    %mul3A_199 = arith.constant 128 : i32
    %mul3A_200 = vector.broadcast %mul3A_199 : i32 to vector<48x8xi32>
    %mul3A_201 = arith.muli %iota3A_198, %mul3A_200 : vector<48x8xi32>
    %convert_element_type3A_202 = arith.sitofp %mul3A_201 : vector<48x8xi32> to vector<48x8xf32>
    %ge3A = vector.broadcast %dot_general3A_179 : vector<1x8xf32> to vector<48x8xf32>
    %ge3A_203 = arith.cmpf oge, %convert_element_type3A_202, %ge3A : vector<48x8xf32>
    %jit3A_204 = arith.constant 1.000000e+00 : f32
    %jit3A_205 = arith.constant 0.000000e+00 : f32
    %broadcast_in_dim3A_206 = vector.broadcast %jit3A_204 : f32 to vector<48x8xf32>
    %broadcast_in_dim3A_207 = vector.broadcast %jit3A_205 : f32 to vector<48x8xf32>
    %select_n3A_208 = arith.select %ge3A_203, %broadcast_in_dim3A_206, %broadcast_in_dim3A_207 : vector<48x8xi1>, vector<48x8xf32>
    %reduce_sum3A_209 = arith.constant dense<0.000000e+00> : vector<48xf32>
    %reduce_sum3A_210 = vector.multi_reduction <add>, %select_n3A_208, %reduce_sum3A_209 [1] : vector<48x8xf32> to vector<48xf32>
    %min3A = arith.constant 7.000000e+00 : f32
    %min3A_211 = vector.broadcast %min3A : f32 to vector<48xf32>
    %min3A_212 = arith.minimumf %reduce_sum3A_210, %min3A_211 : vector<48xf32>
    %convert_element_type3A_213 = arith.fptosi %min3A_212 : vector<48xf32> to vector<48xi32>
    %reshape3A = vector.shape_cast %convert_element_type3A_213 : vector<48xi32> to vector<1x48xi32>
    %swap3A_214 = arith.constant 0 : index
    %swap3A_215 = arith.constant 0 : index
    %swap3A_216 = vector.load %arg4[%swap3A_214, %swap3A_215] : memref<1x48xi32, #tpu.memory_space<vmem>>, vector<1x48xi32>
    tpu.vector_store %arg4[%swap3A_214, %swap3A_215], %reshape3A {strides = array<i32>} : memref<1x48xi32, #tpu.memory_space<vmem>>, vector<1x48xi32>,
    return
  }
}

module attributes {stable_mosaic.version = 14 : i64} {
  func.func @_moe_body(%arg0: i32, %arg1: memref<40xi32, #tpu.memory_space<smem>>, %arg2: memref<128x1024xf32, #tpu.memory_space<vmem>>, %arg3: memref<1x704x1024xf32, #tpu.memory_space<vmem>>, %arg4: memref<1x704x1024xf32, #tpu.memory_space<vmem>>, %arg5: memref<1x1024x704xf32, #tpu.memory_space<vmem>>, %arg6: memref<128x1024xf32, #tpu.memory_space<vmem>>) attributes {dimension_semantics = [#tpu.dimension_semantics<arbitrary>], iteration_bounds = array<i64: 40>, scalar_prefetch = 1 : i64, scratch_operands = 0 : i64, tpu.core_type = #tpu.core_type<tc>, window_params = [{transform_indices = @transform_0, window_bounds = array<i64: 128, 1024>}, {transform_indices = @transform_1, window_bounds = array<i64: 1, 704, 1024>}, {transform_indices = @transform_2, window_bounds = array<i64: 1, 704, 1024>}, {transform_indices = @transform_3, window_bounds = array<i64: 1, 1024, 704>}, {transform_indices = @transform_4, window_bounds = array<i64: 128, 1024>}]} {
    %get3A = arith.constant 0 : index
    %get3A_0 = arith.constant 0 : index
    %get3A_1 = vector.load %arg2[%get3A, %get3A_0] : memref<128x1024xf32, #tpu.memory_space<vmem>>, vector<128x1024xf32>
    %get3A_2 = arith.constant 0 : index
    %get3A_3 = arith.constant 0 : index
    %get3A_4 = arith.constant 0 : index
    %get3A_5 = vector.load %arg3[%get3A_2, %get3A_3, %get3A_4] : memref<1x704x1024xf32, #tpu.memory_space<vmem>>, vector<1x704x1024xf32>
    %get3A_6 = vector.shape_cast %get3A_5 : vector<1x704x1024xf32> to vector<704x1024xf32>
    %dot_general3A = arith.constant dense<0.000000e+00> : vector<128x704xf32>
    %dot_general3A_7 = tpu.matmul %get3A_1, %get3A_6, %dot_general3A {dimension_numbers = #tpu.dot_dimension_numbers<[1], [1], [0], [0], [0, 0, 1, 0], [], []>, transpose_lhs_hint = false} : vector<128x1024xf32>, vector<704x1024xf32>, vector<128x704xf32> -> vector<128x704xf32>
    %get3A_8 = arith.constant 0 : index
    %get3A_9 = arith.constant 0 : index
    %get3A_10 = arith.constant 0 : index
    %get3A_11 = vector.load %arg4[%get3A_8, %get3A_9, %get3A_10] : memref<1x704x1024xf32, #tpu.memory_space<vmem>>, vector<1x704x1024xf32>
    %get3A_12 = vector.shape_cast %get3A_11 : vector<1x704x1024xf32> to vector<704x1024xf32>
    %dot_general3A_13 = arith.constant dense<0.000000e+00> : vector<128x704xf32>
    %dot_general3A_14 = tpu.matmul %get3A_1, %get3A_12, %dot_general3A_13 {dimension_numbers = #tpu.dot_dimension_numbers<[1], [1], [0], [0], [0, 0, 1, 0], [], []>, transpose_lhs_hint = false} : vector<128x1024xf32>, vector<704x1024xf32>, vector<128x704xf32> -> vector<128x704xf32>
    %logistic3A = arith.negf %dot_general3A_7 : vector<128x704xf32>
    %logistic3A_15 = math.exp %logistic3A : vector<128x704xf32>
    %logistic3A_16 = arith.constant 1.000000e+00 : f32
    %logistic3A_17 = vector.broadcast %logistic3A_16 : f32 to vector<128x704xf32>
    %logistic3A_18 = arith.addf %logistic3A_17, %logistic3A_15 : vector<128x704xf32>
    %logistic3A_19 = arith.divf %logistic3A_17, %logistic3A_18 : vector<128x704xf32>
    %mul3A = arith.mulf %dot_general3A_7, %logistic3A_19 : vector<128x704xf32>
    %mul3A_20 = arith.mulf %mul3A, %dot_general3A_14 : vector<128x704xf32>
    %get3A_21 = arith.constant 0 : index
    %get3A_22 = arith.constant 0 : index
    %get3A_23 = arith.constant 0 : index
    %get3A_24 = vector.load %arg5[%get3A_21, %get3A_22, %get3A_23] : memref<1x1024x704xf32, #tpu.memory_space<vmem>>, vector<1x1024x704xf32>
    %get3A_25 = vector.shape_cast %get3A_24 : vector<1x1024x704xf32> to vector<1024x704xf32>
    %dot_general3A_26 = arith.constant dense<0.000000e+00> : vector<128x1024xf32>
    %dot_general3A_27 = tpu.matmul %mul3A_20, %get3A_25, %dot_general3A_26 {dimension_numbers = #tpu.dot_dimension_numbers<[1], [1], [0], [0], [0, 0, 1, 0], [], []>, transpose_lhs_hint = false} : vector<128x704xf32>, vector<1024x704xf32>, vector<128x1024xf32> -> vector<128x1024xf32>
    %swap3A = arith.constant 0 : index
    %swap3A_28 = arith.constant 0 : index
    %swap3A_29 = vector.load %arg6[%swap3A, %swap3A_28] : memref<128x1024xf32, #tpu.memory_space<vmem>>, vector<128x1024xf32>
    tpu.vector_store %arg6[%swap3A, %swap3A_28], %dot_general3A_27 {strides = array<i32>} : memref<128x1024xf32, #tpu.memory_space<vmem>>, vector<128x1024xf32>,
    return
  }
  func.func @transform_0(%arg0: i32, %arg1: memref<40xi32, #tpu.memory_space<smem>>) -> (i32, i32) {
    %c0_i32 = arith.constant 0 : i32
    %c0_i32_0 = arith.constant 0 : i32
    return %arg0, %c0_i32 : i32, i32
  }
  func.func @transform_1(%arg0: i32, %arg1: memref<40xi32, #tpu.memory_space<smem>>) -> (i32, i32, i32) {
    %get3A = arith.index_cast %arg0 : i32 to index
    %get3A_0 = memref.load %arg1[%get3A] : memref<40xi32, #tpu.memory_space<smem>>
    %c0_i32 = arith.constant 0 : i32
    %c0_i32_1 = arith.constant 0 : i32
    %c0_i32_2 = arith.constant 0 : i32
    return %get3A_0, %c0_i32, %c0_i32_1 : i32, i32, i32
  }
  func.func @transform_2(%arg0: i32, %arg1: memref<40xi32, #tpu.memory_space<smem>>) -> (i32, i32, i32) {
    %get3A = arith.index_cast %arg0 : i32 to index
    %get3A_0 = memref.load %arg1[%get3A] : memref<40xi32, #tpu.memory_space<smem>>
    %c0_i32 = arith.constant 0 : i32
    %c0_i32_1 = arith.constant 0 : i32
    %c0_i32_2 = arith.constant 0 : i32
    return %get3A_0, %c0_i32, %c0_i32_1 : i32, i32, i32
  }
  func.func @transform_3(%arg0: i32, %arg1: memref<40xi32, #tpu.memory_space<smem>>) -> (i32, i32, i32) {
    %get3A = arith.index_cast %arg0 : i32 to index
    %get3A_0 = memref.load %arg1[%get3A] : memref<40xi32, #tpu.memory_space<smem>>
    %c0_i32 = arith.constant 0 : i32
    %c0_i32_1 = arith.constant 0 : i32
    %c0_i32_2 = arith.constant 0 : i32
    return %get3A_0, %c0_i32, %c0_i32_1 : i32, i32, i32
  }
  func.func @transform_4(%arg0: i32, %arg1: memref<40xi32, #tpu.memory_space<smem>>) -> (i32, i32) {
    %c0_i32 = arith.constant 0 : i32
    %c0_i32_0 = arith.constant 0 : i32
    return %arg0, %c0_i32 : i32, i32
  }
}

module attributes {stable_mosaic.version = 14 : i64} {
  func.func @_shared_body(%arg0: i32, %arg1: memref<256x1024xf32, #tpu.memory_space<vmem>>, %arg2: memref<1408x1024xf32, #tpu.memory_space<vmem>>, %arg3: memref<1408x1024xf32, #tpu.memory_space<vmem>>, %arg4: memref<1024x1408xf32, #tpu.memory_space<vmem>>, %arg5: memref<256x1024xf32, #tpu.memory_space<vmem>>) attributes {dimension_semantics = [#tpu.dimension_semantics<arbitrary>], iteration_bounds = array<i64: 8>, scalar_prefetch = 0 : i64, scratch_operands = 0 : i64, tpu.core_type = #tpu.core_type<tc>, window_params = [{transform_indices = @transform_0, window_bounds = array<i64: 256, 1024>}, {pipeline_mode = #tpu.pipeline_mode<synchronous>, transform_indices = @transform_1, window_bounds = array<i64: 1408, 1024>}, {pipeline_mode = #tpu.pipeline_mode<synchronous>, transform_indices = @transform_2, window_bounds = array<i64: 1408, 1024>}, {pipeline_mode = #tpu.pipeline_mode<synchronous>, transform_indices = @transform_3, window_bounds = array<i64: 1024, 1408>}, {transform_indices = @transform_4, window_bounds = array<i64: 256, 1024>}]} {
    %get3A = arith.constant 0 : index
    %get3A_0 = arith.constant 0 : index
    %get3A_1 = vector.load %arg1[%get3A, %get3A_0] : memref<256x1024xf32, #tpu.memory_space<vmem>>, vector<256x1024xf32>
    %get3A_2 = arith.constant 0 : index
    %get3A_3 = arith.constant 0 : index
    %get3A_4 = vector.load %arg2[%get3A_2, %get3A_3] : memref<1408x1024xf32, #tpu.memory_space<vmem>>, vector<1408x1024xf32>
    %dot_general3A = arith.constant dense<0.000000e+00> : vector<256x1408xf32>
    %dot_general3A_5 = tpu.matmul %get3A_1, %get3A_4, %dot_general3A {dimension_numbers = #tpu.dot_dimension_numbers<[1], [1], [0], [0], [0, 0, 1, 0], [], []>, transpose_lhs_hint = false} : vector<256x1024xf32>, vector<1408x1024xf32>, vector<256x1408xf32> -> vector<256x1408xf32>
    %get3A_6 = arith.constant 0 : index
    %get3A_7 = arith.constant 0 : index
    %get3A_8 = vector.load %arg3[%get3A_6, %get3A_7] : memref<1408x1024xf32, #tpu.memory_space<vmem>>, vector<1408x1024xf32>
    %dot_general3A_9 = arith.constant dense<0.000000e+00> : vector<256x1408xf32>
    %dot_general3A_10 = tpu.matmul %get3A_1, %get3A_8, %dot_general3A_9 {dimension_numbers = #tpu.dot_dimension_numbers<[1], [1], [0], [0], [0, 0, 1, 0], [], []>, transpose_lhs_hint = false} : vector<256x1024xf32>, vector<1408x1024xf32>, vector<256x1408xf32> -> vector<256x1408xf32>
    %logistic3A = arith.negf %dot_general3A_5 : vector<256x1408xf32>
    %logistic3A_11 = math.exp %logistic3A : vector<256x1408xf32>
    %logistic3A_12 = arith.constant 1.000000e+00 : f32
    %logistic3A_13 = vector.broadcast %logistic3A_12 : f32 to vector<256x1408xf32>
    %logistic3A_14 = arith.addf %logistic3A_13, %logistic3A_11 : vector<256x1408xf32>
    %logistic3A_15 = arith.divf %logistic3A_13, %logistic3A_14 : vector<256x1408xf32>
    %mul3A = arith.mulf %dot_general3A_5, %logistic3A_15 : vector<256x1408xf32>
    %mul3A_16 = arith.mulf %mul3A, %dot_general3A_10 : vector<256x1408xf32>
    %get3A_17 = arith.constant 0 : index
    %get3A_18 = arith.constant 0 : index
    %get3A_19 = vector.load %arg4[%get3A_17, %get3A_18] : memref<1024x1408xf32, #tpu.memory_space<vmem>>, vector<1024x1408xf32>
    %dot_general3A_20 = arith.constant dense<0.000000e+00> : vector<256x1024xf32>
    %dot_general3A_21 = tpu.matmul %mul3A_16, %get3A_19, %dot_general3A_20 {dimension_numbers = #tpu.dot_dimension_numbers<[1], [1], [0], [0], [0, 0, 1, 0], [], []>, transpose_lhs_hint = false} : vector<256x1408xf32>, vector<1024x1408xf32>, vector<256x1024xf32> -> vector<256x1024xf32>
    %swap3A = arith.constant 0 : index
    %swap3A_22 = arith.constant 0 : index
    %swap3A_23 = vector.load %arg5[%swap3A, %swap3A_22] : memref<256x1024xf32, #tpu.memory_space<vmem>>, vector<256x1024xf32>
    tpu.vector_store %arg5[%swap3A, %swap3A_22], %dot_general3A_21 {strides = array<i32>} : memref<256x1024xf32, #tpu.memory_space<vmem>>, vector<256x1024xf32>,
    return
  }
  func.func @transform_0(%arg0: i32) -> (i32, i32) {
    %c0_i32 = arith.constant 0 : i32
    %c0_i32_0 = arith.constant 0 : i32
    return %arg0, %c0_i32 : i32, i32
  }
  func.func @transform_1(%arg0: i32) -> (i32, i32) {
    %c0_i32 = arith.constant 0 : i32
    %c0_i32_0 = arith.constant 0 : i32
    %c0_i32_1 = arith.constant 0 : i32
    return %c0_i32, %c0_i32_0 : i32, i32
  }
  func.func @transform_2(%arg0: i32) -> (i32, i32) {
    %c0_i32 = arith.constant 0 : i32
    %c0_i32_0 = arith.constant 0 : i32
    %c0_i32_1 = arith.constant 0 : i32
    return %c0_i32, %c0_i32_0 : i32, i32
  }
  func.func @transform_3(%arg0: i32) -> (i32, i32) {
    %c0_i32 = arith.constant 0 : i32
    %c0_i32_0 = arith.constant 0 : i32
    %c0_i32_1 = arith.constant 0 : i32
    return %c0_i32, %c0_i32_0 : i32, i32
  }
  func.func @transform_4(%arg0: i32) -> (i32, i32) {
    %c0_i32 = arith.constant 0 : i32
    %c0_i32_0 = arith.constant 0 : i32
    return %arg0, %c0_i32 : i32, i32
  }
}

</mosaic_0001>

<sc_bundles>
// kernel: gather_offload_async_start
scs
__scs_entry_jumppad:
0x0: {  	(pc) =	sbr.rel $0x88, $3  }
0x1: {  	(tag) =	ssettag $0x0;
	lr =	simm.s32 $0x1  }
0x2: {  	[smem:$0x3F99] =	sst lr;
	_ =	strace $0xD0000000  }
0x3: {  	_ = 	snop  }
0x4: {  	_ = 	snop  }
0x5: {  	_ = 	snop  }
0x6: {  	_ = 	snop  }
0x7: {  	_ = 	snop  }
__scs_overlays_trampoline_lowered:
0x8: {  	[smem:$0x3FA8] =	sst s0  }
0x9: {  	[smem:$0x3FA9] =	sst s1  }
0xa: {  	[smem:$0x3FAA] =	sst s2  }
0xb: {  	[smem:$0x3FAB] =	sst s3  }
0xc: {  	[smem:$0x3FAC] =	sst s4  }
0xd: {  	[smem:$0x3FAD] =	sst s5  }
0xe: {  	[smem:$0x3FAE] =	sst s6  }
0xf: {  	[smem:$0x3FAF] =	sst s7  }
0x10: {  	[smem:$0x3FB0] =	sst s8  }
0x11: {  	[smem:$0x3FB1] =	sst s9;
	s0 =	simm.s32 @!p0 $0x0  }
0x12: {  	s1 =	sld [smem:$0x3F97];
	s0 =	simm.s32 @p0 $0x1  }
0x13: {  	[smem:$0x3FB2] =	sst s0;
	s0 =	simm.s32 @!p1 $0x0  }
0x14: {  	s2 =	sld [smem:$0x3F96];
	s0 =	simm.s32 @p1 $0x1  }
0x15: {  	[smem:$0x3FB3] =	sst s0;
	s0 =	simm.s32 @!p2 $0x0  }
0x16: {  	s3 =	sld [smem:$0x3FDB];
	s0 =	simm.s32 @p2 $0x1  }
0x17: {  	s4 =	simm.s32 $0x1BF5;
	[smem:$0x3FB5] =	sst s0  }
0x18: {  	s0 =	sld [smem:$0x3F98];
	_ =	swait.ge [sflag:s4], $0x0  }
0x19: {  	s7 =	sld [smem:$0x3F99]  }
0x1a: {  	s8 =	sadd.s32 $0xFFFFE003, lr  }
0x1b: {  	s9 =	sadd.s32 $0xFFFFFEF7, lr;
	s5 =	simm.s32 $0xFFFFFFFF;
	p2 =	slt.u32 s8, $0xFFFFF086  }
0x1c: {  	p1 =	slt.u32 s9, $0xF7A;
	s5 =	simm.s32 @!p2 $0x0  }
0x1d: {  	s5 =	simm.s32 @p1 $0x1;
	p0 =	seq.s32 s7, s2  }
0x1e: {  	s7 =	smul.u32 @!p0 $0xF7A, s2;
	p2 =	seq.s32 @!p0 s5, $0x0  }
0x1f: {  	s9 =	smul.u32 $0xF7A, s1;
	s8 =	simm.s32 @!p0 $0x1BF5;
	p2 =	por !p2, p0  }
0x20: {  	[sflag:s8] =	ssyncset.s32 @!p0 $0xFFFFF086;
	s6 =	sadd.s32 @!p0 s3, s7;
	s7 =	simm.s32 @!p0 $0x108  }
0x21: {  	s3 =	sadd.s32 s3, s9;
	s6 =	sadd.s32 @!p0 $0x88, s6;
	s7 =	simm.s32 @p2 $0x1082  }
0x22: {  	[simem:s7], [sflag:s8] =	dma.local @!p0 [hbm:s6], $0xF7A  }
0x23: {  	s9 =	sor.u32 $0xD0000000, s2;
	s6 =	simm.s32 $0x108;
	_ =	swait.ge @!p0 [sflag:s8], $0x0  }
0x24: {  	s3 =	sadd.s32 $0x88, s3;
	s6 =	simm.s32 @!p1 $0x1082;
	[sflag:s4] =	ssyncset.s32 $0xFFFFF086  }
0x25: {  	[simem:s6], [sflag:s4] =	dma.local [hbm:s3], $0xF7A  }
0x26: {  	[smem:$0x3F99] =	sst s1;
	(tag) =	ssettag s2;
	_ =	strace s9  }
0x27: {  	s1 =	sld [smem:$0x3FA9]  }
0x28: {  	s2 =	sld [smem:$0x3FAA]  }
0x29: {  	s4 =	sld [smem:$0x3FAC]  }
0x2a: {  	p0 =	seq.s32 s5, $0x0;
	s5 =	sld [smem:$0x3FAD]  }
0x2b: {  	s6 =	sld [smem:$0x3FAE]  }
0x2c: {  	s7 =	sld [smem:$0x3FAF]  }
0x2d: {  	s3 =	simm.s32 $0x108;
	s8 =	sld [smem:$0x3FB0]  }
0x2e: {  	s3 =	simm.s32 @!p0 $0x1082;
	s9 =	sld [smem:$0x3FB1]  }
0x2f: {  	lr =	sadd.s32 s0, s3;
	s0 =	sld [smem:$0x3FA8]  }
0x30: {  	s3 =	sld [smem:$0x3FAB]  }
0x31: {  	[smem:$0x3FB4] =	sst s10  }
0x32: {  	s10 =	sld [smem:$0x3FB2];
	_ =	sdelay $0x3  }
0x33: {  	p0 =	seq.s32 s10, $0x1;
	s10 =	sld [smem:$0x3FB4];
	_ =	sdelay $0x3  }
0x34: {  	[smem:$0x3FB4] =	sst s10  }
0x35: {  	s10 =	sld [smem:$0x3FB3];
	_ =	sdelay $0x3  }
0x36: {  	p1 =	seq.s32 s10, $0x1;
	s10 =	sld [smem:$0x3FB4];
	_ =	sdelay $0x3  }
0x37: {  	[smem:$0x3FB4] =	sst s10  }
0x38: {  	s10 =	sld [smem:$0x3FB5]  }
0x39: {  	_ = 	snop;
	(pc) =	sbr.ind lr, $3  }
0x3a: {  	_ = 	snop  }
0x3b: {  	_ = 	snop  }
0x3c: {  	p2 =	seq.s32 s10, $0x1;
	s10 =	sld [smem:$0x3FB4]  }
0x3d: {  	_ =	shalt  }
0x3e: {  	_ =	shalt  }
0x3f: {  	_ =	shalt  }
0x40: {  	_ =	shalt  }
0x41: {  	_ =	shalt  }
0x42: {  	_ =	shalt  }
0x43: {  	_ =	shalt  }
0x44: {  	_ =	shalt  }
0x45: {  	_ =	shalt  }
0x46: {  	_ =	shalt  }
0x47: {  	_ =	shalt  }
0x48: {  	_ =	shalt  }
0x49: {  	_ =	shalt  }
0x4a: {  	_ =	shalt  }
0x4b: {  	_ =	shalt  }
0x4c: {  	_ =	shalt  }
0x4d: {  	_ =	shalt  }
0x4e: {  	_ =	shalt  }
0x4f: {  	_ =	shalt  }
0x50: {  	_ =	shalt  }
0x51: {  	_ =	shalt  }
0x52: {  	_ =	shalt  }
0x53: {  	_ =	shalt  }
0x54: {  	_ =	shalt  }
0x55: {  	_ =	shalt  }
0x56: {  	_ =	shalt  }
0x57: {  	_ =	shalt  }
0x58: {  	_ =	shalt  }
0x59: {  	_ =	shalt  }
0x5a: {  	_ =	shalt  }
0x5b: {  	_ =	shalt  }
0x5c: {  	_ =	shalt  }
0x5d: {  	_ =	shalt  }
0x5e: {  	_ =	shalt  }
0x5f: {  	_ =	shalt  }
0x60: {  	_ =	shalt  }
0x61: {  	_ =	shalt  }
0x62: {  	_ =	shalt  }
0x63: {  	_ =	shalt  }
0x64: {  	_ =	shalt  }
0x65: {  	_ =	shalt  }
0x66: {  	_ =	shalt  }
0x67: {  	_ =	shalt  }
0x68: {  	_ =	shalt  }
0x69: {  	_ =	shalt  }
0x6a: {  	_ =	shalt  }
0x6b: {  	_ =	shalt  }
0x6c: {  	_ =	shalt  }
0x6d: {  	_ =	shalt  }
0x6e: {  	_ =	shalt  }
0x6f: {  	_ =	shalt  }
0x70: {  	_ =	shalt  }
0x71: {  	_ =	shalt  }
0x72: {  	_ =	shalt  }
0x73: {  	_ =	shalt  }
0x74: {  	_ =	shalt  }
0x75: {  	_ =	shalt  }
0x76: {  	_ =	shalt  }
0x77: {  	_ =	shalt  }
0x78: {  	_ =	shalt  }
0x79: {  	_ =	shalt  }
0x7a: {  	_ =	shalt  }
0x7b: {  	_ =	shalt  }
0x7c: {  	_ =	shalt  }
0x7d: {  	_ =	shalt  }
0x7e: {  	_ =	shalt  }
0x7f: {  	_ =	shalt  }
0x80: {  	_ =	shalt  }
0x81: {  	_ =	shalt  }
0x82: {  	_ =	shalt  }
0x83: {  	_ =	shalt  }
0x84: {  	_ =	shalt  }
0x85: {  	_ =	shalt  }
0x86: {  	_ =	shalt  }
0x87: {  	_ =	shalt  }
.Lfunc_end0:
.L_simem_size_0:
called_computation_lowered:
.L_overlay_start_0:
0x88: {  	s2 =	sld [smem:$0x3FD9]  }
0x89: {  	s3 =	sld [smem:$0x3FFE];
	_ =	sdelay $0x1  }
0x8a: {  	s1 =	srdreg.scid  }
0x8b: {  	s0 =	sand.u32 $0x1, s1  }
0x8c: {  	s16 =	sshll.u32 s0, $0xA;
	s2 =	sadd.s32 s3, s2  }
0x8d: {  	s2 =	sadd.s32 s2, s16  }
0x8e: {  	[smem:$0x3FC0] =	sst s2  }
0x8f: {  	_ = 	snop  }
0x90: {  	(tm) =	ssettm $0x1  }
0x91: {  	s17 =	sld [smem:$0x3FFB];
	_ =	sdelay $0x3  }
0x92: {  	_ =	strace s17  }
0x93: {  	s2 =	sld [smem:$0x3FFC];
	_ =	sdelay $0x3  }
0x94: {  	_ =	strace s2  }
0x95: {  	s2 =	sld [smem:$0x3FFD];
	_ =	sdelay $0x3  }
0x96: {  	_ =	strace s2  }
0x97: {  	_ =	strace $0x8FFFFFFF  }
0x98: {  	s18 =	sld [smem:$0x3FDB];
	_ =	sdelay $0x1  }
0x99: {  	s19 =	simm.s32 $_scs_section_size  }
0x9a: {  	s4 =	simm.s32 $_size__tile_overlayer_lowered;
	s5 =	simm.s32 $_tile_overlayer_lowered  }
0x9b: {  	s22 =	simm.s32 $0x1BFF;
	s21 =	sshll.u32 s5, $0x1;
	s2 =	sadd.s32 s19, s18  }
0x9c: {  	s6 =	simm.s32 $0x0;
	s20 =	sshll.u32 s4, $0x1;
	s4 =	sadd.s32 s21, s2  }
0x9d: {  	[timem:s6], [sflag:s22] =	dma.local [hbm:s4], s20  }
0x9e: {  	_ =	swait.ge [sflag:s22], s20  }
0x9f: {  	s3 =	ssub.s32 $0x0, s20;
	[sflag:s22] =	ssyncset.done $0x0  }
0xa0: {  	[sflag:s22] =	ssyncadd.s32 s3;
	_ =	sdelay $0x1  }
0xa1: {  	s23 =	simm.s32 $0x1B8B  }
0xa2: {  	_ =	swait.ge [sflag:s23], $0x1  }
0xa3: {  	[sflag:s23] =	ssyncset.done $0x0  }
0xa4: {  	s25 =	simm.s32 $0x1B8E;
	s24 =	sld [smem:$0x3FFE];
	[sflag:s23] =	ssyncadd.s32 $0xFFFFFFFF  }
0xa5: {  	s26 =	simm.s32 $execute0_lowered;
	[smem:$0x3FD2] =	sst s25  }
0xa6: {  	s4 =	sshll.u32 s26, $0x1;
	_ =	strace $0x80000049;
	[dreg:$0x1] =	wrdreg $0xFFFFFFFF  }
0xa7: {  	s28 =	simm.s32 $_size_execute0_lowered;
	s2 =	sadd.s32 s2, s4;
	[dreg:$0x0] =	wrdreg $0x0  }
0xa8: {  	s4 =	sshll.u32 s28, $0x1;
	[dreg:$0x2] =	wrdreg s2  }
0xa9: {  	[dreg:$0x3] =	wrdreg s4  }
0xaa: {  	[dreg:$0x4] =	wrdreg $0xC0  }
0xab: {  	_ =	task [dreg:s6], $0x5FFFF  }
0xac: {  	[dreg:$0x1] =	wrdreg $0xFFFFFFFF  }
0xad: {  	[dreg:$0x0] =	wrdreg $0x60  }
0xae: {  	[dreg:$0x2] =	wrdreg s24  }
0xaf: {  	[dreg:$0x3] =	wrdreg $0x9  }
0xb0: {  	_ =	task.clear_ibuf [dreg:s6], $0x4FFFF;
	_ =	strace $0x90000049  }
0xb1: {  	s29 =	simm.s32 $0x9;
	_ =	strace $0x8000004B  }
0xb2: {  	_ =	swait.ge [sflag:s29], $0x1  }
0xb3: {  	[sflag:s29] =	ssyncadd.s32 $0xFFFFFFFF  }
0xb4: {  	_ =	strace $0x9000004B  }
0xb5: {  	_ =	sfence  }
0xb6: {  	s30 =	sld [smem:$0x0];
	_ =	sdelay $0x2  }
0xb7: {  	s31 =	sshll.u32 s1, $0xD;
	s1 =	sshrl.u32 s1, $0x2  }
0xb8: {  	s3 =	sand.u32 $0x4000, s31;
	s1 =	sadd.s32 s1, s30  }
0xb9: {  	s0 =	sor.u32 s3, s0;
	s1 =	sshll.u32 s1, $0x11  }
0xba: {  	s0 =	sor.u32 s1, s0  }
0xbb: {  	s0 =	sadd.s32 $0x8F2B, s0  }
0xbc: {  	[sflag:s0] =	ssyncadd.remote.s32 $0x1  }
0xbd: {  	_ =	sfence.sel $0xFFFF  }
0xbe: {  	[dreg:$0x0] =	wrdreg $0xFFFFFFFF;
	(pc) =	sbr.abs _section_cstart, $3  }
0xbf: {  	[dreg:$0x1] =	wrdreg $0xFFFFFFFF  }
0xc0: {  	_ =	task.clear_ibuf [dreg:s6], $0x2FFFF;
	_ =	strace $0x9FFFFFFF  }
0xc1: {  	(tm) =	ssettm $0x7FFFFFFF  }
tec
execute0_lowered:
.L_overlay_start_1:
0x0: {  	(tag) =	ssettag $0x1  }
0x1: {  	s7 =	rddreg [dreg:$0x0]  }
0x2: {  	s0 =	rddreg [dreg:$0x1];
	_ =	strace $0x8000004A  }
0x3: {  	s1 =	srdreg.scid;
	s4 =	simm.s32 $0x1;
	s9 =	simm.s32 $0x3  }
0x4: {  	s11 =	simm.s32 $0x0;
	p0 =	por $0x0, $0x0;
	s5 =	sshll.u32 s1, $0x4  }
.Ltmp0:
0x5: {  	s1 =	stileid.u32;
	s5 =	sand.u32 $0x10, s5;
	(pc) =	sbr.rel .LBB2_1-.Ltmp0, $4  }
0x6: {  	s2 =	sadd.s32 $0xA400, s7;
	s3 =	sadd.s32 $0x16A600, s7;
	s6 =	sor.u32 s1, s5  }
0x7: {  	[sflag:s4] =	ssyncpa.u1 $0x0;
	s5 =	simm.s32 $0x2;
	s6 =	sshll.u32 s6, $0x7  }
0x8: {  	s7 =	sadd.s32 $0xAA400, s7;
	[sflag:s5] =	ssyncpa.u1 $0x0;
	s8 =	sadd.s32 $0x80, s6  }
0x9: {  	vm0 =	vmmov $0xff;
	vm1 =	vcmask $0x3F20;
	[sflag:s9] =	ssyncpa.u1 $0x0;
	s10 =	smov.u32 s6;
	s9 =	simm.s32 $0x0  }
.LBB2_9:
0xa: {  	p1 =	slt.u32 s9, $0x2;
	s11 =	sadd.s32 $0x20, s10  }
0xb: {  	s13 =	smov.u32 s6;
	s9 =	sadd.s32 $0x1, s9;
	p2 =	slt.s32 s11, s8  }
0xc: {  	s13 =	smov.u32 @p2 s11;
	p2 =	sne.s32 s9, $0x6  }
.Ltmp1:
0xd: {  	_ = 	snop;
	(pc) =	sbr.rel @!p2 .LBB2_10-.Ltmp1, $4  }
0xe: {  	s12 =	simm.s32 @!p1 $0x3  }
0xf: {  	_ =	swait.ge @!p1 [sflag:s12], $0x8000  }
0x10: {  	p0 =	por !p0, !p0;
	[sflag:s12] =	ssyncset.done @!p1 $0x0  }
0x11: {  	s11 =	smov.u32 s10;
	s10 =	smov.u32 s13;
	[sflag:s12] =	ssyncadd.s32 @!p1 $0xFFFF8000  }
.LBB2_1:
0x12: {  	p1 =	sgt.u32 s9, $0x3  }
0x13: {  	s12 =	sxor.u32 @!p1 $0xFFFFFFFF, s9  }
0x14: {  	s13 =	sshrl.u32 @!p1 s10, $0x3;
	s12 =	sshll.u32 @!p1 s12, $0x5  }
0x15: {  	s14 =	sand.u32 @!p1 $0x7, s10;
	s13 =	sadd.s32 @!p1 s3, s13;
	s12 =	sand.u32 @!p1 $0x20, s12  }
0x16: {  	[tilespmem:s12], [sflag:$0x2] =	stream.linear.gather @!p1 [hbm4b:s13+s14], $0x20, $0x38;
	[tilespmem:$0x10040] =	vst v63  }
0x17: {  	p1 =	seq.s32 s9, $0x0  }
0x18: {  	p2 =	seq.s32 @!p1 s9, $0x5  }
0x19: {  	p1 =	por p1, p2  }
.Ltmp2:
0x1a: {  	_ = 	snop;
	(pc) =	sbr.rel @p1 .LBB2_9-.Ltmp2, $1  }
0x1b: {  	_ =	sdelay $0x3  }
0x1c: {  	s12 =	simm.s32 $0x1  }
0x1d: {  	_ =	swait.ge [sflag:s5], $0x20;
	s13 =	sand.u32 $0x1, s9;
	s12 =	simm.s32 @!p0 $0x0  }
0x1e: {  	s15 =	simm.s32 $0x0;
	p2 =	por $0x1, $0x1;
	s12 =	sshll.u32 s12, $0x11  }
0x1f: {  	[sflag:s5] =	ssyncset.done $0x0;
	s13 =	sshll.u32 s13, $0x5;
	s14 =	sshrl.u32 s12, $0x2  }
0x20: {  	[sflag:s5] =	ssyncadd.s32 $0xFFFFFFE0;
	s12 =	sor.u32 $0x40, s14;
	s14 =	sadd.s32 $0x40, s14  }
.LBB2_3:
0x21: {  	s16 =	sshll.u32 s15, $0x4  }
0x22: {  	s16 =	sand.u32 $0x3FFFFFF0, s16  }
0x23: {  	s16 =	sadd.s32 s16, s13  }
0x24: {  	v0 =	vld.msk [tilespmem:s16+$0x0 ss:$0x1], $0xffff;
	_ =	sdelay $0x4  }
0x25: {  	vm2 =	vgt.s32 v0, $0x0  }
0x26: {  	v0 =	vnsel vm2, $0x0, v0  }
0x27: {  	v0 =	vmin.u32 v0, $0x13FF  }
0x28: {  	v1 =	vshll.u32 v0, $0x7;
	v0 =	vshll.u32 v0, $0x4  }
0x29: {  	v1 =	vand.u32 $0xFFC00, v1;
	v0 =	vand.u32 $0x70, v0  }
0x2a: {  	v0 =	vor.u32 v0, v1  }
0x2b: {  	s31 =	sshll.u32 s15, $0x10  }
0x2c: {  	s15 =	sshra.s32 s31, $0x2  }
0x2d: {  	s15 =	sadd.s32 s15, s14  }
0x2e: {  	s17 =	sadd.s32 $0x0, s15  }
0x2f: {  	[tilespmem:s17], [sflag:$0x1] =	stream.indirect_vreg.gather [hbm:s2], $0x80, v0, vm0, $0x38;
	[tilespmem:$0x10040] =	vst v63  }
0x30: {  	p1 =	por p2, p2;
	s16 =	simm.s32 $0x1000;
	v1 =	vadd.s32 $0x80, v0;
	s17 =	sadd.s32 $0x2000, s17  }
.LBB2_4:
0x31: {  	[tilespmem:s17], [sflag:$0x1] =	stream.indirect_vreg.gather [hbm:s2], $0x80, v0, vm1, $0x38;
	[tilespmem:$0x10040] =	vst v63  }
0x32: {  	v0 =	vmov v1;
	s17 =	smov.u32 s16;
	p2 =	sne.s32 s16, $0x7000  }
.Ltmp3:
0x33: {  	s16 =	sadd.s32 $0x1000, s16;
	(pc) =	sbr.rel @p2 .LBB2_4-.Ltmp3, $4  }
0x34: {  	s17 =	sshra.s32 s17, $0x2  }
0x35: {  	s17 =	sadd.s32 s17, s15  }
0x36: {  	[tilespmem:s17], [sflag:$0x1] =	stream.indirect_vreg.gather [hbm:s2], $0x80, v1, vm0, $0x38;
	[tilespmem:$0x10040] =	vst v63  }
0x37: {  	s17 =	sadd.s32 $0x2000, s17;
	v1 =	vadd.s32 $0x80, v1  }
0x38: {  	_ = 	snop  }
.Ltmp4:
0x39: {  	_ = 	snop;
	(pc) =	sbr.rel @p1 .LBB2_3-.Ltmp4, $3  }
0x3a: {  	_ =	sdelay $0x1  }
0x3b: {  	[tilespmem:s17], [sflag:$0x1] =	stream.indirect_vreg.gather [hbm:s2], $0x80, v0, vm1, $0x38;
	[tilespmem:$0x10040] =	vst v63  }
0x3c: {  	s15 =	simm.s32 $0x1;
	p2 =	por $0x0, $0x0  }
0x3d: {  	s13 =	sshll.u32 s11, $0x7  }
0x3e: {  	s31 =	sshll.u32 s11, $0x4;
	s13 =	sand.u32 $0xFFFFFC00, s13  }
0x3f: {  	_ =	swait.ge [sflag:s4], $0x8000;
	s11 =	sand.u32 $0x70, s31;
	s13 =	sadd.s32 s13, s7  }
0x40: {  	s14 =	sadd.s32 $0x2000, s12;
	[sflag:s4] =	ssyncset.done $0x0;
	s11 =	sadd.s32 s11, s13  }
0x41: {  	[sflag:s4] =	ssyncadd.s32 $0xFFFF8000;
	s13 =	simm.s32 $0x400;
	s15 =	sadd.s32 $0x0, s11  }
.LBB2_7:
0x42: {  	[hbm:s15] =	stream.linear.scatter [tilespmem:s12], [sflag:$0x3], $0x2000, $0x38;
	[tilespmem:$0x10040] =	vst v63  }
0x43: {  	s15 =	smov.u32 s13;
	s12 =	smov.u32 s14;
	p1 =	sne.s32 s13, $0xC00  }
.Ltmp5:
0x44: {  	s13 =	sadd.s32 $0x400, s13;
	(pc) =	sbr.rel @p1 .LBB2_7-.Ltmp5, $2  }
0x45: {  	_ =	sdelay $0x2  }
0x46: {  	s14 =	sadd.s32 $0x2000, s14;
	s15 =	sadd.s32 s15, s11  }
.Ltmp6:
0x47: {  	(pc) =	sbr.rel .LBB2_9-.Ltmp6, $2  }
0x48: {  	_ =	sdelay $0x2  }
0x49: {  	[hbm:s15] =	stream.linear.scatter [tilespmem:s12], [sflag:$0x3], $0x2000, $0x38;
	[tilespmem:$0x10040] =	vst v63  }
.LBB2_10:
0x4a: {  	_ =	sfence.sel $0x180000  }
0x4b: {  	s2 =	simm.s32 $0x2;
	[bflag:$0x0] =	sbarrier.arrive $0xFFFF  }
0x4c: {  	s30 =	simm.s32 $0x3;
	[sflag:s2] =	ssyncpa.u1 $0x1  }
0x4d: {  	s31 =	simm.s32 $0x1;
	[sflag:s30] =	ssyncpa.u1 $0x1  }
0x4e: {  	[sflag:s31] =	ssyncpa.u1 $0x1  }
0x4f: {  	p0 =	sne.s32 s1, $0x0;
	_ =	strace $0x9000004A  }
0x50: {  	s0 =	sadd.s32 @!p0 $0x100000, s0;
	[bflag:$0x2] =	sbarrier.arrive $0xFFFF  }
0x51: {  	[sflag:s0] =	ssyncadd.tile.s32 @!p0 $0x1;
	_ =	shalt  }
.Lfunc_end2:
_tile_overlayer_lowered:
.L_overlay_start_2:
0x52: {  	(tag) =	ssettag $0x2  }
0x53: {  	s0 =	rddreg [dreg:$0x0];
	s2 =	stileid.u32  }
0x54: {  	s1 =	rddreg [dreg:$0x1];
	p0 =	sne.s32 s2, $0x0  }
0x55: {  	s3 =	rddreg [dreg:$0x2];
	[bflag:$0x3] =	sbarrier.arrive $0xFFFF;
	s2 =	simm.s32 @!p0 $0x1C01  }
0x56: {  	[timem:s3], [sflag:s2] =	dma.local @!p0 [hbm:s0], s1  }
0x57: {  	s0 =	simm.s32 @!p0 $0x1  }
0x58: {  	_ =	swait.ge @!p0 [sflag:s0], s1  }
0x59: {  	s1 =	ssub.s32 @!p0 $0x0, s1;
	[sflag:s0] =	ssyncset.done @!p0 $0x0  }
0x5a: {  	[sflag:s0] =	ssyncadd.s32 @!p0 s1  }
0x5b: {  	[bflag:$0x3] =	sbarrier.arrive $0xFFFF  }
0x5c: {  	_ =	shalt  }

// kernel: moe_dispatch_sc.3.cloned.1.call-start
scs
__scs_entry_jumppad:
0x0: {  	(pc) =	sbr.rel $0x88, $3  }
0x1: {  	(tag) =	ssettag $0x0;
	lr =	simm.s32 $0x1  }
0x2: {  	[smem:$0x3F99] =	sst lr;
	_ =	strace $0xD0000000  }
0x3: {  	_ = 	snop  }
0x4: {  	_ = 	snop  }
0x5: {  	_ = 	snop  }
0x6: {  	_ = 	snop  }
0x7: {  	_ = 	snop  }
__scs_overlays_trampoline_lowered:
0x8: {  	[smem:$0x3FA8] =	sst s0  }
0x9: {  	[smem:$0x3FA9] =	sst s1  }
0xa: {  	[smem:$0x3FAA] =	sst s2  }
0xb: {  	[smem:$0x3FAB] =	sst s3  }
0xc: {  	[smem:$0x3FAC] =	sst s4  }
0xd: {  	[smem:$0x3FAD] =	sst s5  }
0xe: {  	[smem:$0x3FAE] =	sst s6  }
0xf: {  	[smem:$0x3FAF] =	sst s7  }
0x10: {  	[smem:$0x3FB0] =	sst s8  }
0x11: {  	[smem:$0x3FB1] =	sst s9;
	s0 =	simm.s32 @!p0 $0x0  }
0x12: {  	s1 =	sld [smem:$0x3F97];
	s0 =	simm.s32 @p0 $0x1  }
0x13: {  	[smem:$0x3FB2] =	sst s0;
	s0 =	simm.s32 @!p1 $0x0  }
0x14: {  	s2 =	sld [smem:$0x3F96];
	s0 =	simm.s32 @p1 $0x1  }
0x15: {  	[smem:$0x3FB3] =	sst s0;
	s0 =	simm.s32 @!p2 $0x0  }
0x16: {  	s3 =	sld [smem:$0x3FDB];
	s0 =	simm.s32 @p2 $0x1  }
0x17: {  	s4 =	simm.s32 $0x1BF5;
	[smem:$0x3FB5] =	sst s0  }
0x18: {  	s0 =	sld [smem:$0x3F98];
	_ =	swait.ge [sflag:s4], $0x0  }
0x19: {  	s7 =	sld [smem:$0x3F99]  }
0x1a: {  	s8 =	sadd.s32 $0xFFFFE003, lr  }
0x1b: {  	s9 =	sadd.s32 $0xFFFFFEF7, lr;
	s5 =	simm.s32 $0xFFFFFFFF;
	p2 =	slt.u32 s8, $0xFFFFF086  }
0x1c: {  	p1 =	slt.u32 s9, $0xF7A;
	s5 =	simm.s32 @!p2 $0x0  }
0x1d: {  	s5 =	simm.s32 @p1 $0x1;
	p0 =	seq.s32 s7, s2  }
0x1e: {  	s7 =	smul.u32 @!p0 $0xF7A, s2;
	p2 =	seq.s32 @!p0 s5, $0x0  }
0x1f: {  	s9 =	smul.u32 $0xF7A, s1;
	s8 =	simm.s32 @!p0 $0x1BF5;
	p2 =	por !p2, p0  }
0x20: {  	[sflag:s8] =	ssyncset.s32 @!p0 $0xFFFFF086;
	s6 =	sadd.s32 @!p0 s3, s7;
	s7 =	simm.s32 @!p0 $0x108  }
0x21: {  	s3 =	sadd.s32 s3, s9;
	s6 =	sadd.s32 @!p0 $0x88, s6;
	s7 =	simm.s32 @p2 $0x1082  }
0x22: {  	[simem:s7], [sflag:s8] =	dma.local @!p0 [hbm:s6], $0xF7A  }
0x23: {  	s9 =	sor.u32 $0xD0000000, s2;
	s6 =	simm.s32 $0x108;
	_ =	swait.ge @!p0 [sflag:s8], $0x0  }
0x24: {  	s3 =	sadd.s32 $0x88, s3;
	s6 =	simm.s32 @!p1 $0x1082;
	[sflag:s4] =	ssyncset.s32 $0xFFFFF086  }
0x25: {  	[simem:s6], [sflag:s4] =	dma.local [hbm:s3], $0xF7A  }
0x26: {  	[smem:$0x3F99] =	sst s1;
	(tag) =	ssettag s2;
	_ =	strace s9  }
0x27: {  	s1 =	sld [smem:$0x3FA9]  }
0x28: {  	s2 =	sld [smem:$0x3FAA]  }
0x29: {  	s4 =	sld [smem:$0x3FAC]  }
0x2a: {  	p0 =	seq.s32 s5, $0x0;
	s5 =	sld [smem:$0x3FAD]  }
0x2b: {  	s6 =	sld [smem:$0x3FAE]  }
0x2c: {  	s7 =	sld [smem:$0x3FAF]  }
0x2d: {  	s3 =	simm.s32 $0x108;
	s8 =	sld [smem:$0x3FB0]  }
0x2e: {  	s3 =	simm.s32 @!p0 $0x1082;
	s9 =	sld [smem:$0x3FB1]  }
0x2f: {  	lr =	sadd.s32 s0, s3;
	s0 =	sld [smem:$0x3FA8]  }
0x30: {  	s3 =	sld [smem:$0x3FAB]  }
0x31: {  	[smem:$0x3FB4] =	sst s10  }
0x32: {  	s10 =	sld [smem:$0x3FB2];
	_ =	sdelay $0x3  }
0x33: {  	p0 =	seq.s32 s10, $0x1;
	s10 =	sld [smem:$0x3FB4];
	_ =	sdelay $0x3  }
0x34: {  	[smem:$0x3FB4] =	sst s10  }
0x35: {  	s10 =	sld [smem:$0x3FB3];
	_ =	sdelay $0x3  }
0x36: {  	p1 =	seq.s32 s10, $0x1;
	s10 =	sld [smem:$0x3FB4];
	_ =	sdelay $0x3  }
0x37: {  	[smem:$0x3FB4] =	sst s10  }
0x38: {  	s10 =	sld [smem:$0x3FB5]  }
0x39: {  	_ = 	snop;
	(pc) =	sbr.ind lr, $3  }
0x3a: {  	_ = 	snop  }
0x3b: {  	_ = 	snop  }
0x3c: {  	p2 =	seq.s32 s10, $0x1;
	s10 =	sld [smem:$0x3FB4]  }
0x3d: {  	_ =	shalt  }
0x3e: {  	_ =	shalt  }
0x3f: {  	_ =	shalt  }
0x40: {  	_ =	shalt  }
0x41: {  	_ =	shalt  }
0x42: {  	_ =	shalt  }
0x43: {  	_ =	shalt  }
0x44: {  	_ =	shalt  }
0x45: {  	_ =	shalt  }
0x46: {  	_ =	shalt  }
0x47: {  	_ =	shalt  }
0x48: {  	_ =	shalt  }
0x49: {  	_ =	shalt  }
0x4a: {  	_ =	shalt  }
0x4b: {  	_ =	shalt  }
0x4c: {  	_ =	shalt  }
0x4d: {  	_ =	shalt  }
0x4e: {  	_ =	shalt  }
0x4f: {  	_ =	shalt  }
0x50: {  	_ =	shalt  }
0x51: {  	_ =	shalt  }
0x52: {  	_ =	shalt  }
0x53: {  	_ =	shalt  }
0x54: {  	_ =	shalt  }
0x55: {  	_ =	shalt  }
0x56: {  	_ =	shalt  }
0x57: {  	_ =	shalt  }
0x58: {  	_ =	shalt  }
0x59: {  	_ =	shalt  }
0x5a: {  	_ =	shalt  }
0x5b: {  	_ =	shalt  }
0x5c: {  	_ =	shalt  }
0x5d: {  	_ =	shalt  }
0x5e: {  	_ =	shalt  }
0x5f: {  	_ =	shalt  }
0x60: {  	_ =	shalt  }
0x61: {  	_ =	shalt  }
0x62: {  	_ =	shalt  }
0x63: {  	_ =	shalt  }
0x64: {  	_ =	shalt  }
0x65: {  	_ =	shalt  }
0x66: {  	_ =	shalt  }
0x67: {  	_ =	shalt  }
0x68: {  	_ =	shalt  }
0x69: {  	_ =	shalt  }
0x6a: {  	_ =	shalt  }
0x6b: {  	_ =	shalt  }
0x6c: {  	_ =	shalt  }
0x6d: {  	_ =	shalt  }
0x6e: {  	_ =	shalt  }
0x6f: {  	_ =	shalt  }
0x70: {  	_ =	shalt  }
0x71: {  	_ =	shalt  }
0x72: {  	_ =	shalt  }
0x73: {  	_ =	shalt  }
0x74: {  	_ =	shalt  }
0x75: {  	_ =	shalt  }
0x76: {  	_ =	shalt  }
0x77: {  	_ =	shalt  }
0x78: {  	_ =	shalt  }
0x79: {  	_ =	shalt  }
0x7a: {  	_ =	shalt  }
0x7b: {  	_ =	shalt  }
0x7c: {  	_ =	shalt  }
0x7d: {  	_ =	shalt  }
0x7e: {  	_ =	shalt  }
0x7f: {  	_ =	shalt  }
0x80: {  	_ =	shalt  }
0x81: {  	_ =	shalt  }
0x82: {  	_ =	shalt  }
0x83: {  	_ =	shalt  }
0x84: {  	_ =	shalt  }
0x85: {  	_ =	shalt  }
0x86: {  	_ =	shalt  }
0x87: {  	_ =	shalt  }
.Lfunc_end0:
.L_simem_size_0:
called_computation.1_lowered:
.L_overlay_start_0:
0x88: {  	s2 =	sld [smem:$0x3FD9]  }
0x89: {  	s3 =	sld [smem:$0x3FFE];
	_ =	sdelay $0x1  }
0x8a: {  	s1 =	srdreg.scid  }
0x8b: {  	s0 =	sand.u32 $0x1, s1  }
0x8c: {  	s17 =	sshll.u32 s0, $0xA;
	s2 =	sadd.s32 s3, s2  }
0x8d: {  	s2 =	sadd.s32 s2, s17  }
0x8e: {  	[smem:$0x3FC0] =	sst s2  }
0x8f: {  	_ = 	snop  }
0x90: {  	s2 =	sld [smem:$0x3FC9]  }
0x91: {  	s18 =	sld [smem:$0x3FD0];
	(tm) =	ssettm $0x1  }
0x92: {  	s4 =	sld [smem:$0x3FFB];
	_ =	sdelay $0x3  }
0x93: {  	_ =	strace s4  }
0x94: {  	s4 =	sld [smem:$0x3FFC];
	_ =	sdelay $0x3  }
0x95: {  	_ =	strace s4  }
0x96: {  	s4 =	sld [smem:$0x3FFD];
	_ =	sdelay $0x3  }
0x97: {  	_ =	strace s4  }
0x98: {  	_ =	strace $0x8FFFFFFF  }
0x99: {  	s19 =	sld [smem:$0x3FDB];
	_ =	sdelay $0x1  }
0x9a: {  	s5 =	simm.s32 $_scs_section_size  }
0x9b: {  	s6 =	simm.s32 $_size__tile_overlayer_lowered;
	s7 =	simm.s32 $_tile_overlayer_lowered  }
0x9c: {  	s22 =	simm.s32 $0x1BFF;
	s21 =	sshll.u32 s7, $0x1;
	s4 =	sadd.s32 s5, s19  }
0x9d: {  	s8 =	simm.s32 $0x0;
	s20 =	sshll.u32 s6, $0x1;
	s6 =	sadd.s32 s21, s4  }
0x9e: {  	[timem:s8], [sflag:s22] =	dma.local [hbm:s6], s20  }
0x9f: {  	_ =	swait.ge [sflag:s22], s20  }
0xa0: {  	s5 =	ssub.s32 $0x0, s20;
	[sflag:s22] =	ssyncset.done $0x0  }
0xa1: {  	[sflag:s22] =	ssyncadd.s32 s5;
	_ =	sdelay $0x1  }
0xa2: {  	s23 =	simm.s32 $0x1B8B  }
0xa3: {  	_ =	swait.ge [sflag:s23], $0x1  }
0xa4: {  	[sflag:s23] =	ssyncset.done $0x0  }
0xa5: {  	s25 =	simm.s32 $0x1B8E;
	s24 =	sld [smem:$0x3FFE];
	[sflag:s23] =	ssyncadd.s32 $0xFFFFFFFF  }
0xa6: {  	s26 =	simm.s32 $execute0_lowered;
	[smem:$0x3FD2] =	sst s25  }
0xa7: {  	s6 =	sshll.u32 s26, $0x1;
	_ =	strace $0x80000046;
	[dreg:$0x1] =	wrdreg $0xFFFFFFFF  }
0xa8: {  	s28 =	simm.s32 $_size_execute0_lowered;
	s4 =	sadd.s32 s4, s6;
	[dreg:$0x0] =	wrdreg $0x0  }
0xa9: {  	s6 =	sshll.u32 s28, $0x1;
	[dreg:$0x2] =	wrdreg s4  }
0xaa: {  	[dreg:$0x3] =	wrdreg s6  }
0xab: {  	[dreg:$0x4] =	wrdreg $0xC0  }
0xac: {  	_ =	task [dreg:s8], $0x5FFFF  }
0xad: {  	[dreg:$0x1] =	wrdreg $0xFFFFFFFF  }
0xae: {  	[dreg:$0x0] =	wrdreg $0x60  }
0xaf: {  	[dreg:$0x2] =	wrdreg s24  }
0xb0: {  	[dreg:$0x3] =	wrdreg s18  }
0xb1: {  	[dreg:$0x4] =	wrdreg s2  }
0xb2: {  	[dreg:$0x5] =	wrdreg $0x9  }
0xb3: {  	_ =	task.clear_ibuf [dreg:s8], $0x6FFFF;
	_ =	strace $0x90000046  }
0xb4: {  	s29 =	simm.s32 $0x9;
	_ =	strace $0x80000048  }
0xb5: {  	_ =	swait.ge [sflag:s29], $0x1  }
0xb6: {  	[sflag:s29] =	ssyncadd.s32 $0xFFFFFFFF  }
0xb7: {  	_ =	strace $0x90000048  }
0xb8: {  	_ =	sfence  }
0xb9: {  	s30 =	sld [smem:$0x0];
	_ =	sdelay $0x2  }
0xba: {  	s31 =	sshll.u32 s1, $0xD;
	s1 =	sshrl.u32 s1, $0x2  }
0xbb: {  	s3 =	sand.u32 $0x4000, s31;
	s1 =	sadd.s32 s1, s30  }
0xbc: {  	s0 =	sor.u32 s3, s0;
	s1 =	sshll.u32 s1, $0x11  }
0xbd: {  	s0 =	sor.u32 s1, s0  }
0xbe: {  	s0 =	sadd.s32 $0x8F2B, s0  }
0xbf: {  	[sflag:s0] =	ssyncadd.remote.s32 $0x1  }
0xc0: {  	_ =	sfence.sel $0xFFFF  }
0xc1: {  	[dreg:$0x0] =	wrdreg $0xFFFFFFFF;
	(pc) =	sbr.abs _section_cstart, $3  }
0xc2: {  	[dreg:$0x1] =	wrdreg $0xFFFFFFFF  }
0xc3: {  	_ =	task.clear_ibuf [dreg:s8], $0x2FFFF;
	_ =	strace $0x9FFFFFFF  }
0xc4: {  	(tm) =	ssettm $0x7FFFFFFF  }
0xc5: {  	_ =	shalt  }
tec
execute0_lowered:
.L_overlay_start_1:
0x0: {  	(tag) =	ssettag $0x1  }
0x1: {  	s0 =	rddreg [dreg:$0x0];
	s1 =	srdreg.scid  }
0x2: {  	s4 =	rddreg [dreg:$0x1];
	s2 =	stileid.u32  }
0x3: {  	s5 =	rddreg [dreg:$0x2];
	s26 =	simm.s32 $0x80;
	s18 =	simm.s32 $0x100  }
0x4: {  	s22 =	simm.s32 $0x1900;
	s23 =	simm.s32 $0x2100;
	s24 =	simm.s32 $0x2900  }
0x5: {  	s28 =	simm.s32 $0x4100;
	s29 =	simm.s32 $0x4900;
	s30 =	simm.s32 $0x5100  }
0x6: {  	s31 =	simm.s32 $0x5900;
	s10 =	simm.s32 $0x7100;
	s11 =	simm.s32 $0x7900  }
0x7: {  	s12 =	simm.s32 $0x8100;
	s13 =	simm.s32 $0x8900;
	s14 =	simm.s32 $0x9100  }
0x8: {  	s15 =	simm.s32 $0x9900;
	s16 =	simm.s32 $0xA100;
	s17 =	simm.s32 $0xA900  }
0x9: {  	s1 =	sand.u32 $0x1, s1;
	s6 =	sshll.u32 s2, $0x6;
	s2 =	simm.s32 $0x0  }
0xa: {  	s19 =	simm.s32 $0xB900;
	s3 =	sshll.u32 s1, $0xA;
	[smem:$0x7FF] =	sst s2  }
0xb: {  	s1 =	ssub.s32 $0x2, s1;
	s6 =	sor.u32 s6, s3;
	_ =	strace $0x80000047  }
0xc: {  	s3 =	sadd.s32 $0xA600, s0;
	s9 =	sshrl.u32 s1, $0x1;
	[dreg:$0x7] =	wrdreg s26  }
0xd: {  	s26 =	simm.s32 $0x3900;
	s7 =	sshrl.u32 s6, $0x3;
	s6 =	sshll.u32 s6, $0x7  }
0xe: {  	s1 =	ssub.s32 s1, s9;
	s9 =	simm.s32 $0xB100;
	s8 =	sadd.s32 s7, s0  }
0xf: {  	s4 =	sadd.s32 s4, s7;
	s25 =	sadd.s32 s5, s6;
	s5 =	sadd.s32 $0xA800, s0  }
0x10: {  	v2 =	vlaneseq.u32;
	s6 =	sadd.s32 $0xA900, s0;
	s7 =	smax.u32 s1, $0x1;
	[dreg:$0x5] =	wrdreg s4  }
0x11: {  	vm0 =	vmmov $0xffff;
	v1 =	vshrl.u32 v2, $0x3;
	s8 =	sadd.s32 $0xA400, s8;
	[dreg:$0x6] =	wrdreg s25;
	s4 =	sadd.s32 $0xA700, s0  }
0x12: {  	v0 =	vand.u32 $0x7, v2;
	v2 =	vor.u32 $0x8, v2;
	v1 =	vmul.u32 $0x8, v1;
	s25 =	simm.s32 $0x3100;
	[dreg:$0x4] =	wrdreg s8;
	s8 =	simm.s32 $0x3  }
.LBB2_1:
0x13: {  	s20 =	rddreg [dreg:$0x4]  }
0x14: {  	[tilespmem:s2], [sflag:$0x3] =	stream.linear.gather [hbm4b:s20+s2], $0x40, $0x38;
	[tilespmem:$0x10100] =	vst v63  }
0x15: {  	_ =	swait.ge [sflag:s8], $0x40  }
0x16: {  	s0 =	rddreg [dreg:$0x5];
	[sflag:s8] =	ssyncset.done $0x0  }
0x17: {  	s21 =	rddreg [dreg:$0x7];
	[sflag:s8] =	ssyncadd.s32 $0xFFFFFFC0  }
0x18: {  	[tilespmem:s21], [sflag:$0x3] =	stream.linear.gather [hbm4b:s0+s2], $0x40, $0x38;
	[tilespmem:$0x10100] =	vst v63  }
0x19: {  	_ =	swait.ge [sflag:s8], $0x40  }
0x1a: {  	[sflag:s8] =	ssyncset.done $0x0  }
0x1b: {  	s1 =	rddreg [dreg:$0x6];
	[sflag:s8] =	ssyncadd.s32 $0xFFFFFFC0  }
0x1c: {  	[tilespmem:s18], [sflag:$0x3] =	stream.linear.gather [hbm4b:s1+s2], $0x10000, $0x38;
	[tilespmem:$0x10100] =	vst v63  }
0x1d: {  	_ =	swait.ge [sflag:s8], $0x10000  }
0x1e: {  	[sflag:s8] =	ssyncset.done $0x0  }
0x1f: {  	[sflag:s8] =	ssyncadd.s32 $0xFFFF0000  }
0x20: {  	v3 =	vld [tilespmem:$0x0];
	_ =	sdelay $0x4  }
0x21: {  	v4 =	vshll.u32 v3, $0x3  }
0x22: {  	v3 =	vand.u32 $0x7, v3;
	v4 =	vand.u32 $0xFFFFFFC0, v4  }
0x23: {  	v3 =	vor.u32 v3, v4  }
0x24: {  	v4 =	vperm.xlane v3, v0;
	_ =	sdelay $0x1  }
0x25: {  	v4 =	vadd.s32 v1, v4;
	_ =	sdelay $0x4  }
0x26: {  	[hbm4b:s3+s2] =	stream.indirect_vreg.scatter [tilespmem:s18], [sflag:$0x1], $0x80, v4, vm0, $0xb8;
	[tilespmem:$0x10100] =	vst v63  }
0x27: {  	s20 =	simm.s32 $0x900;
	v3 =	vperm.xlane v3, v2  }
0x28: {  	[hbm4b:s4+s2] =	stream.indirect_vreg.scatter [tilespmem:s20], [sflag:$0x1], $0x80, v4, vm0, $0xb8;
	[tilespmem:$0x10100] =	vst v63  }
0x29: {  	s21 =	simm.s32 $0x1100;
	v3 =	vadd.s32 v1, v3  }
0x2a: {  	[hbm4b:s5+s2] =	stream.indirect_vreg.scatter [tilespmem:s21], [sflag:$0x1], $0x80, v4, vm0, $0xb8;
	[tilespmem:$0x10100] =	vst v63  }
0x2b: {  	_ = 	snop  }
0x2c: {  	[hbm4b:s6+s2] =	stream.indirect_vreg.scatter [tilespmem:s22], [sflag:$0x1], $0x80, v4, vm0, $0xb8;
	[tilespmem:$0x10100] =	vst v63  }
0x2d: {  	_ = 	snop  }
0x2e: {  	[hbm4b:s3+s2] =	stream.indirect_vreg.scatter [tilespmem:s23], [sflag:$0x1], $0x80, v3, vm0, $0xb8;
	[tilespmem:$0x10100] =	vst v63  }
0x2f: {  	_ = 	snop  }
0x30: {  	[hbm4b:s4+s2] =	stream.indirect_vreg.scatter [tilespmem:s24], [sflag:$0x1], $0x80, v3, vm0, $0xb8;
	[tilespmem:$0x10100] =	vst v63  }
0x31: {  	_ = 	snop  }
0x32: {  	[hbm4b:s5+s2] =	stream.indirect_vreg.scatter [tilespmem:s25], [sflag:$0x1], $0x80, v3, vm0, $0xb8;
	[tilespmem:$0x10100] =	vst v63  }
0x33: {  	_ = 	snop  }
0x34: {  	[hbm4b:s6+s2] =	stream.indirect_vreg.scatter [tilespmem:s26], [sflag:$0x1], $0x80, v3, vm0, $0xb8;
	[tilespmem:$0x10100] =	vst v63  }
0x35: {  	v3 =	vld [tilespmem:$0x10];
	_ =	sdelay $0x4  }
0x36: {  	v57 =	vshll.u32 v3, $0x3  }
0x37: {  	v3 =	vand.u32 $0x7, v3;
	v4 =	vand.u32 $0xFFFFFFC0, v57  }
0x38: {  	v3 =	vor.u32 v3, v4  }
0x39: {  	v4 =	vperm.xlane v3, v0;
	_ =	sdelay $0x1  }
0x3a: {  	v4 =	vadd.s32 v1, v4;
	_ =	sdelay $0x4  }
0x3b: {  	[hbm4b:s3+s2] =	stream.indirect_vreg.scatter [tilespmem:s28], [sflag:$0x1], $0x80, v4, vm0, $0xb8;
	[tilespmem:$0x10100] =	vst v63  }
0x3c: {  	v3 =	vperm.xlane v3, v2  }
0x3d: {  	[hbm4b:s4+s2] =	stream.indirect_vreg.scatter [tilespmem:s29], [sflag:$0x1], $0x80, v4, vm0, $0xb8;
	[tilespmem:$0x10100] =	vst v63  }
0x3e: {  	v3 =	vadd.s32 v1, v3  }
0x3f: {  	[hbm4b:s5+s2] =	stream.indirect_vreg.scatter [tilespmem:s30], [sflag:$0x1], $0x80, v4, vm0, $0xb8;
	[tilespmem:$0x10100] =	vst v63  }
0x40: {  	_ = 	snop  }
0x41: {  	[hbm4b:s6+s2] =	stream.indirect_vreg.scatter [tilespmem:s31], [sflag:$0x1], $0x80, v4, vm0, $0xb8;
	[tilespmem:$0x10100] =	vst v63  }
0x42: {  	s1 =	simm.s32 $0x6100  }
0x43: {  	[hbm4b:s3+s2] =	stream.indirect_vreg.scatter [tilespmem:s1], [sflag:$0x1], $0x80, v3, vm0, $0xb8;
	[tilespmem:$0x10100] =	vst v63  }
0x44: {  	s0 =	simm.s32 $0x6900  }
0x45: {  	[hbm4b:s4+s2] =	stream.indirect_vreg.scatter [tilespmem:s0], [sflag:$0x1], $0x80, v3, vm0, $0xb8;
	[tilespmem:$0x10100] =	vst v63  }
0x46: {  	_ = 	snop  }
0x47: {  	[hbm4b:s5+s2] =	stream.indirect_vreg.scatter [tilespmem:s10], [sflag:$0x1], $0x80, v3, vm0, $0xb8;
	[tilespmem:$0x10100] =	vst v63  }
0x48: {  	_ = 	snop  }
0x49: {  	[hbm4b:s6+s2] =	stream.indirect_vreg.scatter [tilespmem:s11], [sflag:$0x1], $0x80, v3, vm0, $0xb8;
	[tilespmem:$0x10100] =	vst v63  }
0x4a: {  	v3 =	vld [tilespmem:$0x20];
	_ =	sdelay $0x4  }
0x4b: {  	v58 =	vshll.u32 v3, $0x3  }
0x4c: {  	v3 =	vand.u32 $0x7, v3;
	v4 =	vand.u32 $0xFFFFFFC0, v58  }
0x4d: {  	v3 =	vor.u32 v3, v4  }
0x4e: {  	v4 =	vperm.xlane v3, v0;
	_ =	sdelay $0x1  }
0x4f: {  	v4 =	vadd.s32 v1, v4;
	_ =	sdelay $0x4  }
0x50: {  	[hbm4b:s3+s2] =	stream.indirect_vreg.scatter [tilespmem:s12], [sflag:$0x1], $0x80, v4, vm0, $0xb8;
	[tilespmem:$0x10100] =	vst v63  }
0x51: {  	v3 =	vperm.xlane v3, v2  }
0x52: {  	[hbm4b:s4+s2] =	stream.indirect_vreg.scatter [tilespmem:s13], [sflag:$0x1], $0x80, v4, vm0, $0xb8;
	[tilespmem:$0x10100] =	vst v63  }
0x53: {  	v3 =	vadd.s32 v1, v3  }
0x54: {  	[hbm4b:s5+s2] =	stream.indirect_vreg.scatter [tilespmem:s14], [sflag:$0x1], $0x80, v4, vm0, $0xb8;
	[tilespmem:$0x10100] =	vst v63  }
0x55: {  	_ = 	snop  }
0x56: {  	[hbm4b:s6+s2] =	stream.indirect_vreg.scatter [tilespmem:s15], [sflag:$0x1], $0x80, v4, vm0, $0xb8;
	[tilespmem:$0x10100] =	vst v63  }
0x57: {  	_ = 	snop  }
0x58: {  	[hbm4b:s3+s2] =	stream.indirect_vreg.scatter [tilespmem:s16], [sflag:$0x1], $0x80, v3, vm0, $0xb8;
	[tilespmem:$0x10100] =	vst v63  }
0x59: {  	_ = 	snop  }
0x5a: {  	[hbm4b:s4+s2] =	stream.indirect_vreg.scatter [tilespmem:s17], [sflag:$0x1], $0x80, v3, vm0, $0xb8;
	[tilespmem:$0x10100] =	vst v63  }
0x5b: {  	_ = 	snop  }
0x5c: {  	[hbm4b:s5+s2] =	stream.indirect_vreg.scatter [tilespmem:s9], [sflag:$0x1], $0x80, v3, vm0, $0xb8;
	[tilespmem:$0x10100] =	vst v63  }
0x5d: {  	_ = 	snop  }
0x5e: {  	[hbm4b:s6+s2] =	stream.indirect_vreg.scatter [tilespmem:s19], [sflag:$0x1], $0x80, v3, vm0, $0xb8;
	[tilespmem:$0x10100] =	vst v63  }
0x5f: {  	v3 =	vld [tilespmem:$0x30];
	_ =	sdelay $0x4  }
0x60: {  	v59 =	vshll.u32 v3, $0x3  }
0x61: {  	v3 =	vand.u32 $0x7, v3;
	v4 =	vand.u32 $0xFFFFFFC0, v59  }
0x62: {  	v3 =	vor.u32 v3, v4  }
0x63: {  	v4 =	vperm.xlane v3, v0;
	_ =	sdelay $0x1  }
0x64: {  	v4 =	vadd.s32 v1, v4;
	_ =	sdelay $0x3  }
0x65: {  	s0 =	simm.s32 $0xC100  }
0x66: {  	[hbm4b:s3+s2] =	stream.indirect_vreg.scatter [tilespmem:s0], [sflag:$0x1], $0x80, v4, vm0, $0xb8;
	[tilespmem:$0x10100] =	vst v63  }
0x67: {  	v3 =	vperm.xlane v3, v2;
	s0 =	simm.s32 $0xC900  }
0x68: {  	[hbm4b:s4+s2] =	stream.indirect_vreg.scatter [tilespmem:s0], [sflag:$0x1], $0x80, v4, vm0, $0xb8;
	[tilespmem:$0x10100] =	vst v63  }
0x69: {  	v3 =	vadd.s32 v1, v3;
	s0 =	simm.s32 $0xD100  }
0x6a: {  	[hbm4b:s5+s2] =	stream.indirect_vreg.scatter [tilespmem:s0], [sflag:$0x1], $0x80, v4, vm0, $0xb8;
	[tilespmem:$0x10100] =	vst v63  }
0x6b: {  	s0 =	simm.s32 $0xD900  }
0x6c: {  	[hbm4b:s6+s2] =	stream.indirect_vreg.scatter [tilespmem:s0], [sflag:$0x1], $0x80, v4, vm0, $0xb8;
	[tilespmem:$0x10100] =	vst v63  }
0x6d: {  	s0 =	simm.s32 $0xE100  }
0x6e: {  	[hbm4b:s3+s2] =	stream.indirect_vreg.scatter [tilespmem:s0], [sflag:$0x1], $0x80, v3, vm0, $0xb8;
	[tilespmem:$0x10100] =	vst v63  }
0x6f: {  	s0 =	simm.s32 $0xE900  }
0x70: {  	[hbm4b:s4+s2] =	stream.indirect_vreg.scatter [tilespmem:s0], [sflag:$0x1], $0x80, v3, vm0, $0xb8;
	[tilespmem:$0x10100] =	vst v63  }
0x71: {  	s0 =	simm.s32 $0xF100  }
0x72: {  	[hbm4b:s5+s2] =	stream.indirect_vreg.scatter [tilespmem:s0], [sflag:$0x1], $0x80, v3, vm0, $0xb8;
	[tilespmem:$0x10100] =	vst v63  }
0x73: {  	s0 =	simm.s32 $0xF900  }
0x74: {  	[hbm4b:s6+s2] =	stream.indirect_vreg.scatter [tilespmem:s0], [sflag:$0x1], $0x80, v3, vm0, $0xb8;
	[tilespmem:$0x10100] =	vst v63  }
0x75: {  	v3 =	vld [tilespmem:$0x80];
	_ =	sdelay $0x4  }
0x76: {  	v60 =	vshll.u32 v3, $0x3  }
0x77: {  	v3 =	vand.u32 $0x7, v3;
	v4 =	vand.u32 $0xFFFFFFC0, v60  }
0x78: {  	v3 =	vor.u32 v3, v4  }
0x79: {  	v4 =	vperm.xlane v3, v0;
	_ =	sdelay $0x1  }
0x7a: {  	v4 =	vadd.s32 v1, v4;
	_ =	sdelay $0x4  }
0x7b: {  	[hbm4b:s3+s2] =	stream.indirect_vreg.scatter [tilespmem:s18], [sflag:$0x2], $0x80, v4, vm0, $0xb8;
	[tilespmem:$0x10100] =	vst v63  }
0x7c: {  	v3 =	vperm.xlane v3, v2  }
0x7d: {  	[hbm4b:s4+s2] =	stream.indirect_vreg.scatter [tilespmem:s20], [sflag:$0x2], $0x80, v4, vm0, $0xb8;
	[tilespmem:$0x10100] =	vst v63  }
0x7e: {  	v3 =	vadd.s32 v1, v3  }
0x7f: {  	[hbm4b:s5+s2] =	stream.indirect_vreg.scatter [tilespmem:s21], [sflag:$0x2], $0x80, v4, vm0, $0xb8;
	[tilespmem:$0x10100] =	vst v63  }
0x80: {  	_ = 	snop  }
0x81: {  	[hbm4b:s6+s2] =	stream.indirect_vreg.scatter [tilespmem:s22], [sflag:$0x2], $0x80, v4, vm0, $0xb8;
	[tilespmem:$0x10100] =	vst v63  }
0x82: {  	_ = 	snop  }
0x83: {  	[hbm4b:s3+s2] =	stream.indirect_vreg.scatter [tilespmem:s23], [sflag:$0x2], $0x80, v3, vm0, $0xb8;
	[tilespmem:$0x10100] =	vst v63  }
0x84: {  	_ = 	snop  }
0x85: {  	[hbm4b:s4+s2] =	stream.indirect_vreg.scatter [tilespmem:s24], [sflag:$0x2], $0x80, v3, vm0, $0xb8;
	[tilespmem:$0x10100] =	vst v63  }
0x86: {  	_ = 	snop  }
0x87: {  	[hbm4b:s5+s2] =	stream.indirect_vreg.scatter [tilespmem:s25], [sflag:$0x2], $0x80, v3, vm0, $0xb8;
	[tilespmem:$0x10100] =	vst v63  }
0x88: {  	_ = 	snop  }
0x89: {  	[hbm4b:s6+s2] =	stream.indirect_vreg.scatter [tilespmem:s26], [sflag:$0x2], $0x80, v3, vm0, $0xb8;
	[tilespmem:$0x10100] =	vst v63  }
0x8a: {  	v3 =	vld [tilespmem:$0x90];
	_ =	sdelay $0x4  }
0x8b: {  	v61 =	vshll.u32 v3, $0x3  }
0x8c: {  	v3 =	vand.u32 $0x7, v3;
	v4 =	vand.u32 $0xFFFFFFC0, v61  }
0x8d: {  	v3 =	vor.u32 v3, v4  }
0x8e: {  	v4 =	vperm.xlane v3, v0;
	_ =	sdelay $0x1  }
0x8f: {  	v4 =	vadd.s32 v1, v4;
	_ =	sdelay $0x4  }
0x90: {  	[hbm4b:s3+s2] =	stream.indirect_vreg.scatter [tilespmem:s28], [sflag:$0x2], $0x80, v4, vm0, $0xb8;
	[tilespmem:$0x10100] =	vst v63  }
0x91: {  	v3 =	vperm.xlane v3, v2  }
0x92: {  	[hbm4b:s4+s2] =	stream.indirect_vreg.scatter [tilespmem:s29], [sflag:$0x2], $0x80, v4, vm0, $0xb8;
	[tilespmem:$0x10100] =	vst v63  }
0x93: {  	v3 =	vadd.s32 v1, v3  }
0x94: {  	[hbm4b:s5+s2] =	stream.indirect_vreg.scatter [tilespmem:s30], [sflag:$0x2], $0x80, v4, vm0, $0xb8;
	[tilespmem:$0x10100] =	vst v63  }
0x95: {  	_ = 	snop  }
0x96: {  	[hbm4b:s6+s2] =	stream.indirect_vreg.scatter [tilespmem:s31], [sflag:$0x2], $0x80, v4, vm0, $0xb8;
	[tilespmem:$0x10100] =	vst v63  }
0x97: {  	_ = 	snop  }
0x98: {  	[hbm4b:s3+s2] =	stream.indirect_vreg.scatter [tilespmem:s1], [sflag:$0x2], $0x80, v3, vm0, $0xb8;
	[tilespmem:$0x10100] =	vst v63  }
0x99: {  	s20 =	simm.s32 $0x6900  }
0x9a: {  	[hbm4b:s4+s2] =	stream.indirect_vreg.scatter [tilespmem:s20], [sflag:$0x2], $0x80, v3, vm0, $0xb8;
	[tilespmem:$0x10100] =	vst v63  }
0x9b: {  	_ = 	snop  }
0x9c: {  	[hbm4b:s5+s2] =	stream.indirect_vreg.scatter [tilespmem:s10], [sflag:$0x2], $0x80, v3, vm0, $0xb8;
	[tilespmem:$0x10100] =	vst v63  }
0x9d: {  	_ = 	snop  }
0x9e: {  	[hbm4b:s6+s2] =	stream.indirect_vreg.scatter [tilespmem:s11], [sflag:$0x2], $0x80, v3, vm0, $0xb8;
	[tilespmem:$0x10100] =	vst v63  }
0x9f: {  	v3 =	vld [tilespmem:$0xA0];
	_ =	sdelay $0x4  }
0xa0: {  	v62 =	vshll.u32 v3, $0x3  }
0xa1: {  	v3 =	vand.u32 $0x7, v3;
	v4 =	vand.u32 $0xFFFFFFC0, v62  }
0xa2: {  	v3 =	vor.u32 v3, v4  }
0xa3: {  	v4 =	vperm.xlane v3, v0;
	_ =	sdelay $0x1  }
0xa4: {  	v4 =	vadd.s32 v1, v4;
	_ =	sdelay $0x4  }
0xa5: {  	[hbm4b:s3+s2] =	stream.indirect_vreg.scatter [tilespmem:s12], [sflag:$0x2], $0x80, v4, vm0, $0xb8;
	[tilespmem:$0x10100] =	vst v63  }
0xa6: {  	v3 =	vperm.xlane v3, v2  }
0xa7: {  	[hbm4b:s4+s2] =	stream.indirect_vreg.scatter [tilespmem:s13], [sflag:$0x2], $0x80, v4, vm0, $0xb8;
	[tilespmem:$0x10100] =	vst v63  }
0xa8: {  	v3 =	vadd.s32 v1, v3  }
0xa9: {  	[hbm4b:s5+s2] =	stream.indirect_vreg.scatter [tilespmem:s14], [sflag:$0x2], $0x80, v4, vm0, $0xb8;
	[tilespmem:$0x10100] =	vst v63  }
0xaa: {  	_ = 	snop  }
0xab: {  	[hbm4b:s6+s2] =	stream.indirect_vreg.scatter [tilespmem:s15], [sflag:$0x2], $0x80, v4, vm0, $0xb8;
	[tilespmem:$0x10100] =	vst v63  }
0xac: {  	_ = 	snop  }
0xad: {  	[hbm4b:s3+s2] =	stream.indirect_vreg.scatter [tilespmem:s16], [sflag:$0x2], $0x80, v3, vm0, $0xb8;
	[tilespmem:$0x10100] =	vst v63  }
0xae: {  	_ = 	snop  }
0xaf: {  	[hbm4b:s4+s2] =	stream.indirect_vreg.scatter [tilespmem:s17], [sflag:$0x2], $0x80, v3, vm0, $0xb8;
	[tilespmem:$0x10100] =	vst v63  }
0xb0: {  	_ = 	snop  }
0xb1: {  	[hbm4b:s5+s2] =	stream.indirect_vreg.scatter [tilespmem:s9], [sflag:$0x2], $0x80, v3, vm0, $0xb8;
	[tilespmem:$0x10100] =	vst v63  }
0xb2: {  	_ = 	snop  }
0xb3: {  	[hbm4b:s6+s2] =	stream.indirect_vreg.scatter [tilespmem:s19], [sflag:$0x2], $0x80, v3, vm0, $0xb8;
	[tilespmem:$0x10100] =	vst v63  }
0xb4: {  	v3 =	vld [tilespmem:$0xB0];
	_ =	sdelay $0x4  }
0xb5: {  	v63 =	vshll.u32 v3, $0x3  }
0xb6: {  	v3 =	vand.u32 $0x7, v3;
	v4 =	vand.u32 $0xFFFFFFC0, v63  }
0xb7: {  	v3 =	vor.u32 v3, v4  }
0xb8: {  	v4 =	vperm.xlane v3, v0;
	_ =	sdelay $0x1  }
0xb9: {  	v4 =	vadd.s32 v1, v4;
	_ =	sdelay $0x3  }
0xba: {  	s21 =	simm.s32 $0xC100  }
0xbb: {  	[hbm4b:s3+s2] =	stream.indirect_vreg.scatter [tilespmem:s21], [sflag:$0x2], $0x80, v4, vm0, $0xb8;
	[tilespmem:$0x10100] =	vst v63  }
0xbc: {  	s20 =	simm.s32 $0xC900;
	v3 =	vperm.xlane v3, v2  }
0xbd: {  	[hbm4b:s4+s2] =	stream.indirect_vreg.scatter [tilespmem:s20], [sflag:$0x2], $0x80, v4, vm0, $0xb8;
	[tilespmem:$0x10100] =	vst v63  }
0xbe: {  	v3 =	vadd.s32 v1, v3;
	s21 =	simm.s32 $0xD100  }
0xbf: {  	[hbm4b:s5+s2] =	stream.indirect_vreg.scatter [tilespmem:s21], [sflag:$0x2], $0x80, v4, vm0, $0xb8;
	[tilespmem:$0x10100] =	vst v63  }
0xc0: {  	s20 =	simm.s32 $0xD900  }
0xc1: {  	[hbm4b:s6+s2] =	stream.indirect_vreg.scatter [tilespmem:s20], [sflag:$0x2], $0x80, v4, vm0, $0xb8;
	[tilespmem:$0x10100] =	vst v63  }
0xc2: {  	s21 =	simm.s32 $0xE100  }
0xc3: {  	[hbm4b:s3+s2] =	stream.indirect_vreg.scatter [tilespmem:s21], [sflag:$0x2], $0x80, v3, vm0, $0xb8;
	[tilespmem:$0x10100] =	vst v63  }
0xc4: {  	s20 =	simm.s32 $0xE900  }
0xc5: {  	[hbm4b:s4+s2] =	stream.indirect_vreg.scatter [tilespmem:s20], [sflag:$0x2], $0x80, v3, vm0, $0xb8;
	[tilespmem:$0x10100] =	vst v63  }
0xc6: {  	s21 =	simm.s32 $0xF100  }
0xc7: {  	[hbm4b:s5+s2] =	stream.indirect_vreg.scatter [tilespmem:s21], [sflag:$0x2], $0x80, v3, vm0, $0xb8;
	[tilespmem:$0x10100] =	vst v63  }
0xc8: {  	s20 =	simm.s32 $0x1  }
0xc9: {  	[hbm4b:s6+s2] =	stream.indirect_vreg.scatter [tilespmem:s0], [sflag:$0x2], $0x80, v3, vm0, $0xb8;
	[tilespmem:$0x10100] =	vst v63  }
0xca: {  	p0 =	sne.s32 s7, $0x1;
	_ =	swait.ge [sflag:s20], $0x10000  }
.Ltmp0:
0xcb: {  	[sflag:s20] =	ssyncset.done $0x0;
	(pc) =	sbr.rel @p0 .LBB2_1-.Ltmp0, $4  }
0xcc: {  	s21 =	simm.s32 $0x2;
	[sflag:s20] =	ssyncadd.s32 $0xFFFF0000  }
0xcd: {  	_ =	swait.ge [sflag:s21], $0x10000  }
0xce: {  	[sflag:s21] =	ssyncset.done $0x0  }
0xcf: {  	s7 =	sadd.s32 $0xFFFFFFFF, s7;
	[sflag:s21] =	ssyncadd.s32 $0xFFFF0000  }
0xd0: {  	_ =	sfence.sel $0x180000  }
0xd1: {  	[bflag:$0x0] =	sbarrier.arrive $0xFFFF  }
0xd2: {  	_ =	strace $0x90000047  }
0xd3: {  	s0 =	stileid.u32;
	[bflag:$0x2] =	sbarrier.arrive $0xFFFF  }
0xd4: {  	p0 =	sne.s32 s0, $0x0;
	s0 =	rddreg [dreg:$0x3]  }
0xd5: {  	s0 =	sadd.s32 @!p0 $0x100000, s0  }
0xd6: {  	[sflag:s0] =	ssyncadd.tile.s32 @!p0 $0x1;
	_ =	shalt  }
.Lfunc_end2:
_tile_overlayer_lowered:
.L_overlay_start_2:
0xd7: {  	(tag) =	ssettag $0x2  }
0xd8: {  	s0 =	rddreg [dreg:$0x0];
	s2 =	stileid.u32  }
0xd9: {  	s1 =	rddreg [dreg:$0x1];
	p0 =	sne.s32 s2, $0x0  }
0xda: {  	s3 =	rddreg [dreg:$0x2];
	[bflag:$0x3] =	sbarrier.arrive $0xFFFF;
	s2 =	simm.s32 @!p0 $0x1C03  }
0xdb: {  	[timem:s3], [sflag:s2] =	dma.local @!p0 [hbm:s0], s1  }
0xdc: {  	s0 =	simm.s32 @!p0 $0x3  }
0xdd: {  	_ =	swait.ge @!p0 [sflag:s0], s1  }
0xde: {  	s1 =	ssub.s32 @!p0 $0x0, s1;
	[sflag:s0] =	ssyncset.done @!p0 $0x0  }
0xdf: {  	[sflag:s0] =	ssyncadd.s32 @!p0 s1  }
0xe0: {  	[bflag:$0x3] =	sbarrier.arrive $0xFFFF  }
0xe1: {  	_ =	shalt  }

</sc_bundles>
